<compile_context>
chip_gen: v7x
topology: tpu7x:2x2x1
jax: 0.10.2.dev20260603
libtpu: 0.0.44.dev20260713+nightly
codegen_flags: <defaults>
</compile_context>

<pallas_src>
import functools

import jax
import jax.numpy as jnp
import numpy as np
from jax import lax
from jax.experimental import pallas as pl
from jax.experimental.pallas import tpu as pltpu
from jax.experimental.pallas import tpu_sc as plsc

N = 100000
D = 256
G = 1024
NW = 32
ROWS_PER_W = N // NW
BP = 64
NBLK = 50
LOAD_PER_W = NBLK * BP
GPAD = G + 8
CL = 16
STRIPE = G // 16


_SC_MESH = plsc.VectorSubcoreMesh(core_axis_name="c", subcore_axis_name="s")


@functools.partial(
    pl.kernel,
    mesh=_SC_MESH,
    out_type=[
        jax.ShapeDtypeStruct((2 * G, D), jnp.float32),
        jax.ShapeDtypeStruct((2 * G, CL), jnp.float32),
    ],
    scratch_types=[
        pltpu.VMEM((NBLK, BP), jnp.int32),
        pltpu.VMEM((BP, D), jnp.float32),
        pltpu.VMEM((BP, D), jnp.float32),
        pltpu.VMEM((BP, D), jnp.float32),
        pltpu.VMEM((BP, D), jnp.float32),
        pltpu.VMEM((BP, D), jnp.float32),
        pltpu.VMEM((BP, CL), jnp.float32),
        pltpu.VMEM_SHARED((GPAD, D), jnp.float32),
        pltpu.VMEM_SHARED((GPAD, CL), jnp.float32),
        pltpu.SemaphoreType.DMA,
        pltpu.SemaphoreType.DMA,
        pltpu.SemaphoreType.DMA,
        pltpu.SemaphoreType.DMA,
        pltpu.SemaphoreType.DMA,
        pltpu.SemaphoreType.DMA,
        pltpu.SemaphoreType.DMA,
        pltpu.SemaphoreType.DMA,
        pltpu.SemaphoreType.DMA,
        pltpu.SemaphoreType.DMA,
        pltpu.SemaphoreType.DMA,
    ],
    compiler_params=pltpu.CompilerParams(use_tc_tiling_on_sc=False),
)
def _seg_sum_sc(ids_hbm, h_hbm, zsum_hbm, zcnt_hbm, ones_hbm,
                sums_hbm, cnts_hbm,
                ids_v, buf0, buf1, buf2, buf3, buf4, ones_v, acc_s, cnt_s,
                ld0, ld1, ld2, ld3, ld4, st0, st1, st2, st3, st4, ctsem):
    cid = lax.axis_index("c")
    sid = lax.axis_index("s")
    wid = sid * 2 + cid
    bufs = (buf0, buf1, buf2, buf3, buf4)
    lds = (ld0, ld1, ld2, ld3, ld4)
    sts = (st0, st1, st2, st3, st4)

    pltpu.sync_copy(ids_hbm.at[wid], ids_v)
    pltpu.sync_copy(ones_hbm, ones_v)
    pltpu.sync_copy(zsum_hbm.at[pl.ds(sid * STRIPE, STRIPE)],
                    acc_s.at[pl.ds(sid * STRIPE, STRIPE)])
    pltpu.sync_copy(zcnt_hbm.at[pl.ds(sid * STRIPE, STRIPE)],
                    cnt_s.at[pl.ds(sid * STRIPE, STRIPE)])
    plsc.subcore_barrier()

    row0 = jnp.minimum(wid * ROWS_PER_W // 8 * 8, N - LOAD_PER_W)

    def h_src(b):
        return h_hbm.at[pl.ds(row0 + b * BP, BP)]

    def start_scat(b, k):
        pltpu.async_copy(bufs[k], acc_s.at[ids_v.at[b]], sts[k], add=True)

    def wait_scat(b, k):
        pltpu.make_async_copy(bufs[k], acc_s.at[ids_v.at[b]], sts[k]).wait()

    def cnt_fire(b, carry):
        pltpu.async_copy(ones_v, cnt_s.at[ids_v.at[b]], ctsem, add=True)
        return carry

    lax.fori_loop(0, NBLK, cnt_fire, 0)

    pltpu.async_copy(h_src(0), bufs[0], lds[0])
    pltpu.async_copy(h_src(1), bufs[1], lds[1])

    def group(g, carry):
        for k in range(5):
            b = g * 5 + k
            kn = (k + 2) % 5
            @pl.when(b >= 3)
            def _():
                wait_scat(b - 3, kn)
            @pl.when(b + 2 < NBLK)
            def _():
                pltpu.async_copy(h_src(b + 2), bufs[kn], lds[kn])
            pltpu.make_async_copy(h_src(b), bufs[k], lds[k]).wait()
            start_scat(b, k)
        return carry

    assert NBLK % 5 == 0
    lax.fori_loop(0, NBLK // 5, group, 0)

    wait_scat(NBLK - 3, (NBLK - 3) % 5)
    wait_scat(NBLK - 2, (NBLK - 2) % 5)
    wait_scat(NBLK - 1, (NBLK - 1) % 5)

    def cnt_drain(b, carry):
        pltpu.make_async_copy(ones_v, cnt_s.at[ids_v.at[b]], ctsem).wait()
        return carry

    lax.fori_loop(0, NBLK, cnt_drain, 0)
    plsc.subcore_barrier()

    pltpu.sync_copy(acc_s.at[pl.ds(sid * STRIPE, STRIPE)],
                    sums_hbm.at[pl.ds(cid * G + sid * STRIPE, STRIPE)])
    pltpu.sync_copy(cnt_s.at[pl.ds(sid * STRIPE, STRIPE)],
                    cnts_hbm.at[pl.ds(cid * G + sid * STRIPE, STRIPE)])


def _mlp_body(sums_ref, cnts_ref, fcw_ref, fcb_ref, clsw_ref, clsb_ref,
              out_ref):
    sums = sums_ref[:G] + sums_ref[G:]
    cnt = cnts_ref[:G] + cnts_ref[G:]
    cnt0 = jnp.maximum(cnt[:, 0:1], 1.0)
    gf = sums / cnt0
    hidden = jnp.maximum(jnp.dot(gf, fcw_ref[...]) + fcb_ref[...], 0.0)
    out_ref[...] = jnp.dot(hidden, clsw_ref[...]) + clsb_ref[...]


_STARTS = [min(w * ROWS_PER_W // 8 * 8, N - LOAD_PER_W) for w in range(NW)]
_OWNED = np.stack([
    (np.arange(s, s + LOAD_PER_W) >= w * ROWS_PER_W)
    & (np.arange(s, s + LOAD_PER_W) < (w + 1) * ROWS_PER_W)
    for w, s in enumerate(_STARTS)
])


def _build_ids(graph_ids):
    gid = graph_ids.astype(jnp.int32)
    wins = jnp.stack([lax.slice(gid, (s,), (s + LOAD_PER_W,))
                      for s in _STARTS])
    ids = jnp.where(_OWNED, wins, G)
    return ids.reshape(NW, NBLK, BP)


def kernel(h, graph_ids, fc_w, fc_b, cls_w, cls_b):
    ids = _build_ids(graph_ids)
    zsum = jnp.zeros((G, D), jnp.float32)
    zcnt = jnp.zeros((G, CL), jnp.float32)
    ones = jnp.ones((BP, CL), jnp.float32)

    sums2, cnts2 = _seg_sum_sc(ids, h, zsum, zcnt, ones)

    out = pl.pallas_call(
        _mlp_body,
        out_shape=jax.ShapeDtypeStruct((G, 16), jnp.float32),
    )(sums2, cnts2,
      fc_w, fc_b.reshape(1, 512), cls_w, cls_b.reshape(1, 16))
    return out

# --- scband reference (transcript-rebuilt; emitter-appended) ---
"""Pipeline reference for scband-graph-classifier-18906446037130 (READ-ONLY COPY).

The authoritative reference and input builder live on the scoring server;
editing this copy changes nothing except your own understanding.
"""

import jax, jax.numpy as jnp
import numpy as np

NUM_GRAPHS = 1024

def setup_inputs(seed: int = 0) -> dict:
    key = jax.random.key(seed)
    k1, k2, k3, k4, k5, k6 = jax.random.split(key, 6)
    h = jax.random.normal(k1, (100000, 256), dtype=jnp.float32)
    graph_ids = jnp.sort(jax.random.randint(k2, (100000,), 0, NUM_GRAPHS, dtype=jnp.int64))
    fc_w = jax.random.normal(k3, (256, 512), dtype=jnp.float32) * (1.0 / np.sqrt(256))
    fc_b = jnp.zeros((512,), dtype=jnp.float32)
    cls_w = jax.random.normal(k4, (512, 16), dtype=jnp.float32) * (1.0 / np.sqrt(512))
    cls_b = jnp.zeros((16,), dtype=jnp.float32)
    return {"h": h, "graph_ids": graph_ids, "fc_w": fc_w, "fc_b": fc_b, "cls_w": cls_w, "cls_b": cls_b}

def reference(h, graph_ids, fc_w, fc_b, cls_w, cls_b):
    # dgl.mean_nodes: per-graph mean of node features 'h'
    sums = jax.ops.segment_sum(h, graph_ids, num_segments=NUM_GRAPHS)
    counts = jax.ops.segment_sum(jnp.ones((h.shape[0],), dtype=h.dtype), graph_ids, num_segments=NUM_GRAPHS)
    counts = jnp.maximum(counts, 1.0)
    graph_feats = sums / counts[:, None]
    hidden = jax.nn.relu(graph_feats @ fc_w + fc_b)
    out = hidden @ cls_w + cls_b
    return out

if __name__ == "__main__":
    import jax
    _d = setup_inputs()
    print(jax.jit(kernel)(*tuple(_d.values())))

</pallas_src>

<mosaic_0001>
#map = affine_map<(d0, d1) -> (0, 0, 0)>
#map1 = affine_map<(d0, d1) -> (0, 0)>
module attributes {stable_mosaic.version = 14 : i64} {
  func.func @_seg_sum_sc(%arg0: i32, %arg1: i32, %arg2: memref<32x50x64xi32, #tpu.memory_space<hbm>>, %arg3: memref<100000x256xf32, #tpu.memory_space<hbm>>, %arg4: memref<1024x256xf32, #tpu.memory_space<hbm>>, %arg5: memref<1024x16xf32, #tpu.memory_space<hbm>>, %arg6: memref<64x16xf32, #tpu.memory_space<hbm>>, %arg7: memref<2048x256xf32, #tpu.memory_space<hbm>>, %arg8: memref<2048x16xf32, #tpu.memory_space<hbm>>, %arg9: memref<50x64xi32, #tpu.memory_space<vmem>>, %arg10: memref<64x256xf32, #tpu.memory_space<vmem>>, %arg11: memref<64x256xf32, #tpu.memory_space<vmem>>, %arg12: memref<64x256xf32, #tpu.memory_space<vmem>>, %arg13: memref<64x256xf32, #tpu.memory_space<vmem>>, %arg14: memref<64x256xf32, #tpu.memory_space<vmem>>, %arg15: memref<64x16xf32, #tpu.memory_space<vmem>>, %arg16: memref<1032x256xf32, #tpu.memory_space<vmem_shared>>, %arg17: memref<1032x16xf32, #tpu.memory_space<vmem_shared>>, %arg18: memref<!tpu.dma_semaphore, #tpu.memory_space<semaphore_mem>>, %arg19: memref<!tpu.dma_semaphore, #tpu.memory_space<semaphore_mem>>, %arg20: memref<!tpu.dma_semaphore, #tpu.memory_space<semaphore_mem>>, %arg21: memref<!tpu.dma_semaphore, #tpu.memory_space<semaphore_mem>>, %arg22: memref<!tpu.dma_semaphore, #tpu.memory_space<semaphore_mem>>, %arg23: memref<!tpu.dma_semaphore, #tpu.memory_space<semaphore_mem>>, %arg24: memref<!tpu.dma_semaphore, #tpu.memory_space<semaphore_mem>>, %arg25: memref<!tpu.dma_semaphore, #tpu.memory_space<semaphore_mem>>, %arg26: memref<!tpu.dma_semaphore, #tpu.memory_space<semaphore_mem>>, %arg27: memref<!tpu.dma_semaphore, #tpu.memory_space<semaphore_mem>>, %arg28: memref<!tpu.dma_semaphore, #tpu.memory_space<semaphore_mem>>) attributes {dimension_semantics = [#tpu.dimension_semantics<core_parallel>, #tpu.dimension_semantics<subcore_parallel>], iteration_bounds = array<i64: 2, 16>, scalar_prefetch = 0 : i64, scratch_operands = 20 : i64, tpu.core_type = #tpu.core_type<sc_vector_subcore>, window_params = [{transform_indices = #map}, {transform_indices = #map1}, {transform_indices = #map1}, {transform_indices = #map1}, {transform_indices = #map1}, {transform_indices = #map1}, {transform_indices = #map1}]} {
    %mul3A = arith.constant 2 : i32
    %mul3A_0 = arith.muli %arg1, %mul3A : i32
    %add3A = arith.addi %mul3A_0, %arg0 : i32
    "tpu.region"() ({
      %run_scoped3A = tpu.sem_alloc : memref<!tpu.dma_semaphore, #tpu.memory_space<semaphore_mem>>
      %dma_start3A_93 = arith.constant 0 : i32
      %dma_start3A_94 = arith.constant 0 : i32
      %dma_start3A_95 = tpu.memref_slice %arg2[%add3A, %dma_start3A_93, %dma_start3A_94] : memref<32x50x64xi32, #tpu.memory_space<hbm>> -> memref<1x50x64xi32, #tpu.memory_space<hbm>>
      %dma_start3A_96 = tpu.memref_squeeze %dma_start3A_95 : memref<1x50x64xi32, #tpu.memory_space<hbm>> -> memref<50x64xi32, #tpu.memory_space<hbm>>
      %dma_start3A_97 = arith.constant 0 : i32
      %dma_start3A_98 = arith.constant 0 : i32
      %dma_start3A_99 = tpu.memref_slice %arg2[%add3A, %dma_start3A_97, %dma_start3A_98] : memref<32x50x64xi32, #tpu.memory_space<hbm>> -> memref<1x50x64xi32, #tpu.memory_space<hbm>>
      %dma_start3A_100 = tpu.memref_squeeze %dma_start3A_99 : memref<1x50x64xi32, #tpu.memory_space<hbm>> -> memref<50x64xi32, #tpu.memory_space<hbm>>
      tpu.enqueue_dma source(%dma_start3A_100 : memref<50x64xi32, #tpu.memory_space<hbm>>) target(%arg9 : memref<50x64xi32, #tpu.memory_space<vmem>>) target_semaphore(%run_scoped3A : memref<!tpu.dma_semaphore, #tpu.memory_space<semaphore_mem>>)
      %dma_wait3A_101 = arith.constant 0 : i32
      %dma_wait3A_102 = arith.constant 0 : i32
      %dma_wait3A_103 = tpu.memref_slice %arg2[%add3A, %dma_wait3A_101, %dma_wait3A_102] : memref<32x50x64xi32, #tpu.memory_space<hbm>> -> memref<1x50x64xi32, #tpu.memory_space<hbm>>
      %dma_wait3A_104 = tpu.memref_squeeze %dma_wait3A_103 : memref<1x50x64xi32, #tpu.memory_space<hbm>> -> memref<50x64xi32, #tpu.memory_space<hbm>>
      %dma_wait3A_105 = arith.constant 0 : i32
      %dma_wait3A_106 = arith.constant 0 : i32
      %dma_wait3A_107 = tpu.memref_slice %arg2[%add3A, %dma_wait3A_105, %dma_wait3A_106] : memref<32x50x64xi32, #tpu.memory_space<hbm>> -> memref<1x50x64xi32, #tpu.memory_space<hbm>>
      %dma_wait3A_108 = tpu.memref_squeeze %dma_wait3A_107 : memref<1x50x64xi32, #tpu.memory_space<hbm>> -> memref<50x64xi32, #tpu.memory_space<hbm>>
      tpu.wait_dma2 semaphore(%run_scoped3A : memref<!tpu.dma_semaphore, #tpu.memory_space<semaphore_mem>>) src(%dma_wait3A_108 : memref<50x64xi32, #tpu.memory_space<hbm>>) dst(%arg9 : memref<50x64xi32, #tpu.memory_space<vmem>>)
      tpu.yield
    }) : () -> ()
    "tpu.region"() ({
      %run_scoped3A = tpu.sem_alloc : memref<!tpu.dma_semaphore, #tpu.memory_space<semaphore_mem>>
      tpu.enqueue_dma source(%arg6 : memref<64x16xf32, #tpu.memory_space<hbm>>) target(%arg15 : memref<64x16xf32, #tpu.memory_space<vmem>>) target_semaphore(%run_scoped3A : memref<!tpu.dma_semaphore, #tpu.memory_space<semaphore_mem>>)
      tpu.wait_dma2 semaphore(%run_scoped3A : memref<!tpu.dma_semaphore, #tpu.memory_space<semaphore_mem>>) src(%arg6 : memref<64x16xf32, #tpu.memory_space<hbm>>) dst(%arg15 : memref<64x16xf32, #tpu.memory_space<vmem>>)
      tpu.yield
    }) : () -> ()
    %mul3A_1 = arith.constant 64 : i32
    %mul3A_2 = arith.muli %arg1, %mul3A_1 : i32
    %mul3A_3 = arith.constant 64 : i32
    %mul3A_4 = arith.muli %arg1, %mul3A_3 : i32
    "tpu.region"() ({
      %run_scoped3A = tpu.sem_alloc : memref<!tpu.dma_semaphore, #tpu.memory_space<semaphore_mem>>
      %dma_start3A_93 = arith.constant 0 : i32
      %dma_start3A_94 = tpu.memref_slice %arg16[%mul3A_4, %dma_start3A_93] : memref<1032x256xf32, #tpu.memory_space<vmem_shared>> -> memref<64x256xf32, #tpu.memory_space<vmem_shared>>
      %dma_start3A_95 = arith.constant 0 : i32
      %dma_start3A_96 = tpu.memref_slice %arg4[%mul3A_2, %dma_start3A_95] : memref<1024x256xf32, #tpu.memory_space<hbm>> -> memref<64x256xf32, #tpu.memory_space<hbm>>
      tpu.enqueue_dma source(%dma_start3A_96 : memref<64x256xf32, #tpu.memory_space<hbm>>) target(%dma_start3A_94 : memref<64x256xf32, #tpu.memory_space<vmem_shared>>) target_semaphore(%run_scoped3A : memref<!tpu.dma_semaphore, #tpu.memory_space<semaphore_mem>>)
      %dma_wait3A_97 = arith.constant 0 : i32
      %dma_wait3A_98 = tpu.memref_slice %arg16[%mul3A_4, %dma_wait3A_97] : memref<1032x256xf32, #tpu.memory_space<vmem_shared>> -> memref<64x256xf32, #tpu.memory_space<vmem_shared>>
      %dma_wait3A_99 = arith.constant 0 : i32
      %dma_wait3A_100 = tpu.memref_slice %arg4[%mul3A_2, %dma_wait3A_99] : memref<1024x256xf32, #tpu.memory_space<hbm>> -> memref<64x256xf32, #tpu.memory_space<hbm>>
      tpu.wait_dma2 semaphore(%run_scoped3A : memref<!tpu.dma_semaphore, #tpu.memory_space<semaphore_mem>>) src(%dma_wait3A_100 : memref<64x256xf32, #tpu.memory_space<hbm>>) dst(%dma_wait3A_98 : memref<64x256xf32, #tpu.memory_space<vmem_shared>>)
      tpu.yield
    }) : () -> ()
    %mul3A_5 = arith.constant 64 : i32
    %mul3A_6 = arith.muli %arg1, %mul3A_5 : i32
    %mul3A_7 = arith.constant 64 : i32
    %mul3A_8 = arith.muli %arg1, %mul3A_7 : i32
    "tpu.region"() ({
      %run_scoped3A = tpu.sem_alloc : memref<!tpu.dma_semaphore, #tpu.memory_space<semaphore_mem>>
      %dma_start3A_93 = arith.constant 0 : i32
      %dma_start3A_94 = tpu.memref_slice %arg17[%mul3A_8, %dma_start3A_93] : memref<1032x16xf32, #tpu.memory_space<vmem_shared>> -> memref<64x16xf32, #tpu.memory_space<vmem_shared>>
      %dma_start3A_95 = arith.constant 0 : i32
      %dma_start3A_96 = tpu.memref_slice %arg5[%mul3A_6, %dma_start3A_95] : memref<1024x16xf32, #tpu.memory_space<hbm>> -> memref<64x16xf32, #tpu.memory_space<hbm>>
      tpu.enqueue_dma source(%dma_start3A_96 : memref<64x16xf32, #tpu.memory_space<hbm>>) target(%dma_start3A_94 : memref<64x16xf32, #tpu.memory_space<vmem_shared>>) target_semaphore(%run_scoped3A : memref<!tpu.dma_semaphore, #tpu.memory_space<semaphore_mem>>)
      %dma_wait3A_97 = arith.constant 0 : i32
      %dma_wait3A_98 = tpu.memref_slice %arg17[%mul3A_8, %dma_wait3A_97] : memref<1032x16xf32, #tpu.memory_space<vmem_shared>> -> memref<64x16xf32, #tpu.memory_space<vmem_shared>>
      %dma_wait3A_99 = arith.constant 0 : i32
      %dma_wait3A_100 = tpu.memref_slice %arg5[%mul3A_6, %dma_wait3A_99] : memref<1024x16xf32, #tpu.memory_space<hbm>> -> memref<64x16xf32, #tpu.memory_space<hbm>>
      tpu.wait_dma2 semaphore(%run_scoped3A : memref<!tpu.dma_semaphore, #tpu.memory_space<semaphore_mem>>) src(%dma_wait3A_100 : memref<64x16xf32, #tpu.memory_space<hbm>>) dst(%dma_wait3A_98 : memref<64x16xf32, #tpu.memory_space<vmem_shared>>)
      tpu.yield
    }) : () -> ()
    %barrier3A = arith.constant 0 : index
    tpu.barrier barrier_id(%barrier3A)
    %mul3A_9 = arith.constant 3125 : i32
    %mul3A_10 = arith.muli %add3A, %mul3A_9 : i32
    %jit3A = arith.constant 8 : i32
    %div3A = arith.divsi %mul3A_10, %jit3A : i32
    %sign3A = arith.constant 0 : i32
    %sign3A_11 = arith.cmpi sgt, %mul3A_10, %sign3A : i32
    %sign3A_12 = arith.extui %sign3A_11 : i1 to i32
    %sign3A_13 = arith.constant 0 : i32
    %sign3A_14 = arith.cmpi slt, %mul3A_10, %sign3A_13 : i32
    %sign3A_15 = arith.extui %sign3A_14 : i1 to i32
    %sign3A_16 = arith.subi %sign3A_12, %sign3A_15 : i32
    %sign3A_17 = arith.constant 0 : i32
    %sign3A_18 = arith.cmpi sgt, %jit3A, %sign3A_17 : i32
    %sign3A_19 = arith.extui %sign3A_18 : i1 to i32
    %sign3A_20 = arith.constant 0 : i32
    %sign3A_21 = arith.cmpi slt, %jit3A, %sign3A_20 : i32
    %sign3A_22 = arith.extui %sign3A_21 : i1 to i32
    %sign3A_23 = arith.subi %sign3A_19, %sign3A_22 : i32
    %ne3A = arith.cmpi ne, %sign3A_16, %sign3A_23 : i32
    %rem3A = arith.remsi %mul3A_10, %jit3A : i32
    %ne3A_24 = arith.constant 0 : i32
    %ne3A_25 = arith.cmpi ne, %rem3A, %ne3A_24 : i32
    %and3A = arith.andi %ne3A, %ne3A_25 : i1
    %sub3A = arith.constant 1 : i32
    %sub3A_26 = arith.subi %div3A, %sub3A : i32
    %select_n3A = arith.select %and3A, %sub3A_26, %div3A : i32
    %mul3A_27 = arith.constant 8 : i32
    %mul3A_28 = arith.muli %select_n3A, %mul3A_27 : i32
    %min3A = arith.constant 96800 : i32
    %min3A_29 = arith.minsi %mul3A_28, %min3A : i32
    %scan3A = arith.constant 0 : i32
    %scan3A_30 = arith.constant 0 : i32
    %scan3A_31 = arith.constant 50 : i32
    %scan3A_32 = arith.addi %scan3A_30, %scan3A_31 : i32
    %scan3A_33 = arith.constant 1 : i32
    scf.for %scan3A_93 = %scan3A_30 to %scan3A_32 step %scan3A_33  : i32 {
      %dma_start3A_94 = arith.constant 0 : i32
      %dma_start3A_95 = tpu.memref_slice %arg9[%scan3A_93, %dma_start3A_94] : memref<50x64xi32, #tpu.memory_space<vmem>> -> memref<1x64xi32, #tpu.memory_space<vmem>>
      %dma_start3A_96 = tpu.memref_squeeze %dma_start3A_95 : memref<1x64xi32, #tpu.memory_space<vmem>> -> memref<64xi32, #tpu.memory_space<vmem>>
      %dma_start3A_97 = arith.constant 0 : i32
      %dma_start3A_98 = arith.constant 0 : i32
      %dma_start3A_99 = tpu.memref_slice %arg17[%dma_start3A_97, %dma_start3A_98] : memref<1032x16xf32, #tpu.memory_space<vmem_shared>> -> memref<1032x16xf32, #tpu.memory_space<vmem_shared>>
      tpu.enqueue_indirect_dma source(%arg15 : memref<64x16xf32, #tpu.memory_space<vmem>>) target(%dma_start3A_99 : memref<1032x16xf32, #tpu.memory_space<vmem_shared>>) offsets(%dma_start3A_96 : memref<64xi32, #tpu.memory_space<vmem>>) semaphore(%arg28 : memref<!tpu.dma_semaphore, #tpu.memory_space<semaphore_mem>>) {add = true}
    }
    %scan3A_34 = arith.constant 50 : i32
    %add3A_35 = arith.constant 0 : i32
    %add3A_36 = arith.addi %min3A_29, %add3A_35 : i32
    %dma_start3A = arith.constant 0 : i32
    %dma_start3A_37 = tpu.memref_slice %arg3[%add3A_36, %dma_start3A] : memref<100000x256xf32, #tpu.memory_space<hbm>> -> memref<64x256xf32, #tpu.memory_space<hbm>>
    %dma_start3A_38 = arith.constant 0 : i32
    %dma_start3A_39 = tpu.memref_slice %arg3[%add3A_36, %dma_start3A_38] : memref<100000x256xf32, #tpu.memory_space<hbm>> -> memref<64x256xf32, #tpu.memory_space<hbm>>
    tpu.enqueue_dma source(%dma_start3A_39 : memref<64x256xf32, #tpu.memory_space<hbm>>) target(%arg10 : memref<64x256xf32, #tpu.memory_space<vmem>>) target_semaphore(%arg18 : memref<!tpu.dma_semaphore, #tpu.memory_space<semaphore_mem>>)
    %add3A_40 = arith.constant 64 : i32
    %add3A_41 = arith.addi %min3A_29, %add3A_40 : i32
    %dma_start3A_42 = arith.constant 0 : i32
    %dma_start3A_43 = tpu.memref_slice %arg3[%add3A_41, %dma_start3A_42] : memref<100000x256xf32, #tpu.memory_space<hbm>> -> memref<64x256xf32, #tpu.memory_space<hbm>>
    %dma_start3A_44 = arith.constant 0 : i32
    %dma_start3A_45 = tpu.memref_slice %arg3[%add3A_41, %dma_start3A_44] : memref<100000x256xf32, #tpu.memory_space<hbm>> -> memref<64x256xf32, #tpu.memory_space<hbm>>
    tpu.enqueue_dma source(%dma_start3A_45 : memref<64x256xf32, #tpu.memory_space<hbm>>) target(%arg11 : memref<64x256xf32, #tpu.memory_space<vmem>>) target_semaphore(%arg19 : memref<!tpu.dma_semaphore, #tpu.memory_space<semaphore_mem>>)
    %scan3A_46 = arith.constant 0 : i32
    %scan3A_47 = arith.constant 0 : i32
    %scan3A_48 = arith.constant 10 : i32
    %scan3A_49 = arith.addi %scan3A_47, %scan3A_48 : i32
    %scan3A_50 = arith.constant 1 : i32
    scf.for %scan3A_93 = %scan3A_47 to %scan3A_49 step %scan3A_50  : i32 {
      %mul3A_94 = arith.constant 5 : i32
      %mul3A_95 = arith.muli %scan3A_93, %mul3A_94 : i32
      %add3A_96 = arith.constant 0 : i32
      %add3A_97 = arith.addi %mul3A_95, %add3A_96 : i32
      %ge3A = arith.constant 3 : i32
      %ge3A_98 = arith.cmpi sge, %add3A_97, %ge3A : i32
      %convert_element_type3A = arith.extui %ge3A_98 : i1 to i32
      %cond3A = arith.constant 0 : i32
      %cond3A_99 = arith.cmpi ne, %convert_element_type3A, %cond3A : i32
      scf.if %cond3A_99 {
        %sub3A_235 = arith.constant 3 : i32
        %sub3A_236 = arith.subi %add3A_97, %sub3A_235 : i32
        %dma_wait3A_237 = arith.constant 0 : i32
        %dma_wait3A_238 = tpu.memref_slice %arg9[%sub3A_236, %dma_wait3A_237] : memref<50x64xi32, #tpu.memory_space<vmem>> -> memref<1x64xi32, #tpu.memory_space<vmem>>
        %dma_wait3A_239 = tpu.memref_squeeze %dma_wait3A_238 : memref<1x64xi32, #tpu.memory_space<vmem>> -> memref<64xi32, #tpu.memory_space<vmem>>
        %dma_wait3A_240 = arith.constant 0 : i32
        %dma_wait3A_241 = arith.constant 0 : i32
        %dma_wait3A_242 = tpu.memref_slice %arg16[%dma_wait3A_240, %dma_wait3A_241] : memref<1032x256xf32, #tpu.memory_space<vmem_shared>> -> memref<1032x256xf32, #tpu.memory_space<vmem_shared>>
        tpu.wait_indirect_dma semaphore(%arg25 : memref<!tpu.dma_semaphore, #tpu.memory_space<semaphore_mem>>) src(%arg12 : memref<64x256xf32, #tpu.memory_space<vmem>>) dst(%dma_wait3A_242 : memref<1032x256xf32, #tpu.memory_space<vmem_shared>>)
      } else {
      }
      %add3A_100 = arith.constant 2 : i32
      %add3A_101 = arith.addi %add3A_97, %add3A_100 : i32
      %lt3A = arith.constant 50 : i32
      %lt3A_102 = arith.cmpi slt, %add3A_101, %lt3A : i32
      %convert_element_type3A_103 = arith.extui %lt3A_102 : i1 to i32
      %cond3A_104 = arith.constant 0 : i32
      %cond3A_105 = arith.cmpi ne, %convert_element_type3A_103, %cond3A_104 : i32
      scf.if %cond3A_105 {
        %add3A_235 = arith.constant 2 : i32
        %add3A_236 = arith.addi %add3A_97, %add3A_235 : i32
        %mul3A_237 = arith.constant 64 : i32
        %mul3A_238 = arith.muli %add3A_236, %mul3A_237 : i32
        %add3A_239 = arith.addi %min3A_29, %mul3A_238 : i32
        %dma_start3A_240 = arith.constant 0 : i32
        %dma_start3A_241 = tpu.memref_slice %arg3[%add3A_239, %dma_start3A_240] : memref<100000x256xf32, #tpu.memory_space<hbm>> -> memref<64x256xf32, #tpu.memory_space<hbm>>
        %dma_start3A_242 = arith.constant 0 : i32
        %dma_start3A_243 = tpu.memref_slice %arg3[%add3A_239, %dma_start3A_242] : memref<100000x256xf32, #tpu.memory_space<hbm>> -> memref<64x256xf32, #tpu.memory_space<hbm>>
        tpu.enqueue_dma source(%dma_start3A_243 : memref<64x256xf32, #tpu.memory_space<hbm>>) target(%arg12 : memref<64x256xf32, #tpu.memory_space<vmem>>) target_semaphore(%arg20 : memref<!tpu.dma_semaphore, #tpu.memory_space<semaphore_mem>>)
      } else {
      }
      %mul3A_106 = arith.constant 64 : i32
      %mul3A_107 = arith.muli %add3A_97, %mul3A_106 : i32
      %add3A_108 = arith.addi %min3A_29, %mul3A_107 : i32
      %dma_wait3A_109 = arith.constant 0 : i32
      %dma_wait3A_110 = tpu.memref_slice %arg3[%add3A_108, %dma_wait3A_109] : memref<100000x256xf32, #tpu.memory_space<hbm>> -> memref<64x256xf32, #tpu.memory_space<hbm>>
      %dma_wait3A_111 = arith.constant 0 : i32
      %dma_wait3A_112 = tpu.memref_slice %arg3[%add3A_108, %dma_wait3A_111] : memref<100000x256xf32, #tpu.memory_space<hbm>> -> memref<64x256xf32, #tpu.memory_space<hbm>>
      tpu.wait_dma2 semaphore(%arg18 : memref<!tpu.dma_semaphore, #tpu.memory_space<semaphore_mem>>) src(%dma_wait3A_112 : memref<64x256xf32, #tpu.memory_space<hbm>>) dst(%arg10 : memref<64x256xf32, #tpu.memory_space<vmem>>)
      %dma_start3A_113 = arith.constant 0 : i32
      %dma_start3A_114 = tpu.memref_slice %arg9[%add3A_97, %dma_start3A_113] : memref<50x64xi32, #tpu.memory_space<vmem>> -> memref<1x64xi32, #tpu.memory_space<vmem>>
      %dma_start3A_115 = tpu.memref_squeeze %dma_start3A_114 : memref<1x64xi32, #tpu.memory_space<vmem>> -> memref<64xi32, #tpu.memory_space<vmem>>
      %dma_start3A_116 = arith.constant 0 : i32
      %dma_start3A_117 = arith.constant 0 : i32
      %dma_start3A_118 = tpu.memref_slice %arg16[%dma_start3A_116, %dma_start3A_117] : memref<1032x256xf32, #tpu.memory_space<vmem_shared>> -> memref<1032x256xf32, #tpu.memory_space<vmem_shared>>
      tpu.enqueue_indirect_dma source(%arg10 : memref<64x256xf32, #tpu.memory_space<vmem>>) target(%dma_start3A_118 : memref<1032x256xf32, #tpu.memory_space<vmem_shared>>) offsets(%dma_start3A_115 : memref<64xi32, #tpu.memory_space<vmem>>) semaphore(%arg23 : memref<!tpu.dma_semaphore, #tpu.memory_space<semaphore_mem>>) {add = true}
      %mul3A_119 = arith.constant 5 : i32
      %mul3A_120 = arith.muli %scan3A_93, %mul3A_119 : i32
      %add3A_121 = arith.constant 1 : i32
      %add3A_122 = arith.addi %mul3A_120, %add3A_121 : i32
      %ge3A_123 = arith.constant 3 : i32
      %ge3A_124 = arith.cmpi sge, %add3A_122, %ge3A_123 : i32
      %convert_element_type3A_125 = arith.extui %ge3A_124 : i1 to i32
      %cond3A_126 = arith.constant 0 : i32
      %cond3A_127 = arith.cmpi ne, %convert_element_type3A_125, %cond3A_126 : i32
      scf.if %cond3A_127 {
        %sub3A_235 = arith.constant 3 : i32
        %sub3A_236 = arith.subi %add3A_122, %sub3A_235 : i32
        %dma_wait3A_237 = arith.constant 0 : i32
        %dma_wait3A_238 = tpu.memref_slice %arg9[%sub3A_236, %dma_wait3A_237] : memref<50x64xi32, #tpu.memory_space<vmem>> -> memref<1x64xi32, #tpu.memory_space<vmem>>
        %dma_wait3A_239 = tpu.memref_squeeze %dma_wait3A_238 : memref<1x64xi32, #tpu.memory_space<vmem>> -> memref<64xi32, #tpu.memory_space<vmem>>
        %dma_wait3A_240 = arith.constant 0 : i32
        %dma_wait3A_241 = arith.constant 0 : i32
        %dma_wait3A_242 = tpu.memref_slice %arg16[%dma_wait3A_240, %dma_wait3A_241] : memref<1032x256xf32, #tpu.memory_space<vmem_shared>> -> memref<1032x256xf32, #tpu.memory_space<vmem_shared>>
        tpu.wait_indirect_dma semaphore(%arg26 : memref<!tpu.dma_semaphore, #tpu.memory_space<semaphore_mem>>) src(%arg13 : memref<64x256xf32, #tpu.memory_space<vmem>>) dst(%dma_wait3A_242 : memref<1032x256xf32, #tpu.memory_space<vmem_shared>>)
      } else {
      }
      %add3A_128 = arith.constant 2 : i32
      %add3A_129 = arith.addi %add3A_122, %add3A_128 : i32
      %lt3A_130 = arith.constant 50 : i32
      %lt3A_131 = arith.cmpi slt, %add3A_129, %lt3A_130 : i32
      %convert_element_type3A_132 = arith.extui %lt3A_131 : i1 to i32
      %cond3A_133 = arith.constant 0 : i32
      %cond3A_134 = arith.cmpi ne, %convert_element_type3A_132, %cond3A_133 : i32
      scf.if %cond3A_134 {
        %add3A_235 = arith.constant 2 : i32
        %add3A_236 = arith.addi %add3A_122, %add3A_235 : i32
        %mul3A_237 = arith.constant 64 : i32
        %mul3A_238 = arith.muli %add3A_236, %mul3A_237 : i32
        %add3A_239 = arith.addi %min3A_29, %mul3A_238 : i32
        %dma_start3A_240 = arith.constant 0 : i32
        %dma_start3A_241 = tpu.memref_slice %arg3[%add3A_239, %dma_start3A_240] : memref<100000x256xf32, #tpu.memory_space<hbm>> -> memref<64x256xf32, #tpu.memory_space<hbm>>
        %dma_start3A_242 = arith.constant 0 : i32
        %dma_start3A_243 = tpu.memref_slice %arg3[%add3A_239, %dma_start3A_242] : memref<100000x256xf32, #tpu.memory_space<hbm>> -> memref<64x256xf32, #tpu.memory_space<hbm>>
        tpu.enqueue_dma source(%dma_start3A_243 : memref<64x256xf32, #tpu.memory_space<hbm>>) target(%arg13 : memref<64x256xf32, #tpu.memory_space<vmem>>) target_semaphore(%arg21 : memref<!tpu.dma_semaphore, #tpu.memory_space<semaphore_mem>>)
      } else {
      }
      %mul3A_135 = arith.constant 64 : i32
      %mul3A_136 = arith.muli %add3A_122, %mul3A_135 : i32
      %add3A_137 = arith.addi %min3A_29, %mul3A_136 : i32
      %dma_wait3A_138 = arith.constant 0 : i32
      %dma_wait3A_139 = tpu.memref_slice %arg3[%add3A_137, %dma_wait3A_138] : memref<100000x256xf32, #tpu.memory_space<hbm>> -> memref<64x256xf32, #tpu.memory_space<hbm>>
      %dma_wait3A_140 = arith.constant 0 : i32
      %dma_wait3A_141 = tpu.memref_slice %arg3[%add3A_137, %dma_wait3A_140] : memref<100000x256xf32, #tpu.memory_space<hbm>> -> memref<64x256xf32, #tpu.memory_space<hbm>>
      tpu.wait_dma2 semaphore(%arg19 : memref<!tpu.dma_semaphore, #tpu.memory_space<semaphore_mem>>) src(%dma_wait3A_141 : memref<64x256xf32, #tpu.memory_space<hbm>>) dst(%arg11 : memref<64x256xf32, #tpu.memory_space<vmem>>)
      %dma_start3A_142 = arith.constant 0 : i32
      %dma_start3A_143 = tpu.memref_slice %arg9[%add3A_122, %dma_start3A_142] : memref<50x64xi32, #tpu.memory_space<vmem>> -> memref<1x64xi32, #tpu.memory_space<vmem>>
      %dma_start3A_144 = tpu.memref_squeeze %dma_start3A_143 : memref<1x64xi32, #tpu.memory_space<vmem>> -> memref<64xi32, #tpu.memory_space<vmem>>
      %dma_start3A_145 = arith.constant 0 : i32
      %dma_start3A_146 = arith.constant 0 : i32
      %dma_start3A_147 = tpu.memref_slice %arg16[%dma_start3A_145, %dma_start3A_146] : memref<1032x256xf32, #tpu.memory_space<vmem_shared>> -> memref<1032x256xf32, #tpu.memory_space<vmem_shared>>
      tpu.enqueue_indirect_dma source(%arg11 : memref<64x256xf32, #tpu.memory_space<vmem>>) target(%dma_start3A_147 : memref<1032x256xf32, #tpu.memory_space<vmem_shared>>) offsets(%dma_start3A_144 : memref<64xi32, #tpu.memory_space<vmem>>) semaphore(%arg24 : memref<!tpu.dma_semaphore, #tpu.memory_space<semaphore_mem>>) {add = true}
      %mul3A_148 = arith.constant 5 : i32
      %mul3A_149 = arith.muli %scan3A_93, %mul3A_148 : i32
      %add3A_150 = arith.constant 2 : i32
      %add3A_151 = arith.addi %mul3A_149, %add3A_150 : i32
      %ge3A_152 = arith.constant 3 : i32
      %ge3A_153 = arith.cmpi sge, %add3A_151, %ge3A_152 : i32
      %convert_element_type3A_154 = arith.extui %ge3A_153 : i1 to i32
      %cond3A_155 = arith.constant 0 : i32
      %cond3A_156 = arith.cmpi ne, %convert_element_type3A_154, %cond3A_155 : i32
      scf.if %cond3A_156 {
        %sub3A_235 = arith.constant 3 : i32
        %sub3A_236 = arith.subi %add3A_151, %sub3A_235 : i32
        %dma_wait3A_237 = arith.constant 0 : i32
        %dma_wait3A_238 = tpu.memref_slice %arg9[%sub3A_236, %dma_wait3A_237] : memref<50x64xi32, #tpu.memory_space<vmem>> -> memref<1x64xi32, #tpu.memory_space<vmem>>
        %dma_wait3A_239 = tpu.memref_squeeze %dma_wait3A_238 : memref<1x64xi32, #tpu.memory_space<vmem>> -> memref<64xi32, #tpu.memory_space<vmem>>
        %dma_wait3A_240 = arith.constant 0 : i32
        %dma_wait3A_241 = arith.constant 0 : i32
        %dma_wait3A_242 = tpu.memref_slice %arg16[%dma_wait3A_240, %dma_wait3A_241] : memref<1032x256xf32, #tpu.memory_space<vmem_shared>> -> memref<1032x256xf32, #tpu.memory_space<vmem_shared>>
        tpu.wait_indirect_dma semaphore(%arg27 : memref<!tpu.dma_semaphore, #tpu.memory_space<semaphore_mem>>) src(%arg14 : memref<64x256xf32, #tpu.memory_space<vmem>>) dst(%dma_wait3A_242 : memref<1032x256xf32, #tpu.memory_space<vmem_shared>>)
      } else {
      }
      %add3A_157 = arith.constant 2 : i32
      %add3A_158 = arith.addi %add3A_151, %add3A_157 : i32
      %lt3A_159 = arith.constant 50 : i32
      %lt3A_160 = arith.cmpi slt, %add3A_158, %lt3A_159 : i32
      %convert_element_type3A_161 = arith.extui %lt3A_160 : i1 to i32
      %cond3A_162 = arith.constant 0 : i32
      %cond3A_163 = arith.cmpi ne, %convert_element_type3A_161, %cond3A_162 : i32
      scf.if %cond3A_163 {
        %add3A_235 = arith.constant 2 : i32
        %add3A_236 = arith.addi %add3A_151, %add3A_235 : i32
        %mul3A_237 = arith.constant 64 : i32
        %mul3A_238 = arith.muli %add3A_236, %mul3A_237 : i32
        %add3A_239 = arith.addi %min3A_29, %mul3A_238 : i32
        %dma_start3A_240 = arith.constant 0 : i32
        %dma_start3A_241 = tpu.memref_slice %arg3[%add3A_239, %dma_start3A_240] : memref<100000x256xf32, #tpu.memory_space<hbm>> -> memref<64x256xf32, #tpu.memory_space<hbm>>
        %dma_start3A_242 = arith.constant 0 : i32
        %dma_start3A_243 = tpu.memref_slice %arg3[%add3A_239, %dma_start3A_242] : memref<100000x256xf32, #tpu.memory_space<hbm>> -> memref<64x256xf32, #tpu.memory_space<hbm>>
        tpu.enqueue_dma source(%dma_start3A_243 : memref<64x256xf32, #tpu.memory_space<hbm>>) target(%arg14 : memref<64x256xf32, #tpu.memory_space<vmem>>) target_semaphore(%arg22 : memref<!tpu.dma_semaphore, #tpu.memory_space<semaphore_mem>>)
      } else {
      }
      %mul3A_164 = arith.constant 64 : i32
      %mul3A_165 = arith.muli %add3A_151, %mul3A_164 : i32
      %add3A_166 = arith.addi %min3A_29, %mul3A_165 : i32
      %dma_wait3A_167 = arith.constant 0 : i32
      %dma_wait3A_168 = tpu.memref_slice %arg3[%add3A_166, %dma_wait3A_167] : memref<100000x256xf32, #tpu.memory_space<hbm>> -> memref<64x256xf32, #tpu.memory_space<hbm>>
      %dma_wait3A_169 = arith.constant 0 : i32
      %dma_wait3A_170 = tpu.memref_slice %arg3[%add3A_166, %dma_wait3A_169] : memref<100000x256xf32, #tpu.memory_space<hbm>> -> memref<64x256xf32, #tpu.memory_space<hbm>>
      tpu.wait_dma2 semaphore(%arg20 : memref<!tpu.dma_semaphore, #tpu.memory_space<semaphore_mem>>) src(%dma_wait3A_170 : memref<64x256xf32, #tpu.memory_space<hbm>>) dst(%arg12 : memref<64x256xf32, #tpu.memory_space<vmem>>)
      %dma_start3A_171 = arith.constant 0 : i32
      %dma_start3A_172 = tpu.memref_slice %arg9[%add3A_151, %dma_start3A_171] : memref<50x64xi32, #tpu.memory_space<vmem>> -> memref<1x64xi32, #tpu.memory_space<vmem>>
      %dma_start3A_173 = tpu.memref_squeeze %dma_start3A_172 : memref<1x64xi32, #tpu.memory_space<vmem>> -> memref<64xi32, #tpu.memory_space<vmem>>
      %dma_start3A_174 = arith.constant 0 : i32
      %dma_start3A_175 = arith.constant 0 : i32
      %dma_start3A_176 = tpu.memref_slice %arg16[%dma_start3A_174, %dma_start3A_175] : memref<1032x256xf32, #tpu.memory_space<vmem_shared>> -> memref<1032x256xf32, #tpu.memory_space<vmem_shared>>
      tpu.enqueue_indirect_dma source(%arg12 : memref<64x256xf32, #tpu.memory_space<vmem>>) target(%dma_start3A_176 : memref<1032x256xf32, #tpu.memory_space<vmem_shared>>) offsets(%dma_start3A_173 : memref<64xi32, #tpu.memory_space<vmem>>) semaphore(%arg25 : memref<!tpu.dma_semaphore, #tpu.memory_space<semaphore_mem>>) {add = true}
      %mul3A_177 = arith.constant 5 : i32
      %mul3A_178 = arith.muli %scan3A_93, %mul3A_177 : i32
      %add3A_179 = arith.constant 3 : i32
      %add3A_180 = arith.addi %mul3A_178, %add3A_179 : i32
      %ge3A_181 = arith.constant 3 : i32
      %ge3A_182 = arith.cmpi sge, %add3A_180, %ge3A_181 : i32
      %convert_element_type3A_183 = arith.extui %ge3A_182 : i1 to i32
      %cond3A_184 = arith.constant 0 : i32
      %cond3A_185 = arith.cmpi ne, %convert_element_type3A_183, %cond3A_184 : i32
      scf.if %cond3A_185 {
        %sub3A_235 = arith.constant 3 : i32
        %sub3A_236 = arith.subi %add3A_180, %sub3A_235 : i32
        %dma_wait3A_237 = arith.constant 0 : i32
        %dma_wait3A_238 = tpu.memref_slice %arg9[%sub3A_236, %dma_wait3A_237] : memref<50x64xi32, #tpu.memory_space<vmem>> -> memref<1x64xi32, #tpu.memory_space<vmem>>
        %dma_wait3A_239 = tpu.memref_squeeze %dma_wait3A_238 : memref<1x64xi32, #tpu.memory_space<vmem>> -> memref<64xi32, #tpu.memory_space<vmem>>
        %dma_wait3A_240 = arith.constant 0 : i32
        %dma_wait3A_241 = arith.constant 0 : i32
        %dma_wait3A_242 = tpu.memref_slice %arg16[%dma_wait3A_240, %dma_wait3A_241] : memref<1032x256xf32, #tpu.memory_space<vmem_shared>> -> memref<1032x256xf32, #tpu.memory_space<vmem_shared>>
        tpu.wait_indirect_dma semaphore(%arg23 : memref<!tpu.dma_semaphore, #tpu.memory_space<semaphore_mem>>) src(%arg10 : memref<64x256xf32, #tpu.memory_space<vmem>>) dst(%dma_wait3A_242 : memref<1032x256xf32, #tpu.memory_space<vmem_shared>>)
      } else {
      }
      %add3A_186 = arith.constant 2 : i32
      %add3A_187 = arith.addi %add3A_180, %add3A_186 : i32
      %lt3A_188 = arith.constant 50 : i32
      %lt3A_189 = arith.cmpi slt, %add3A_187, %lt3A_188 : i32
      %convert_element_type3A_190 = arith.extui %lt3A_189 : i1 to i32
      %cond3A_191 = arith.constant 0 : i32
      %cond3A_192 = arith.cmpi ne, %convert_element_type3A_190, %cond3A_191 : i32
      scf.if %cond3A_192 {
        %add3A_235 = arith.constant 2 : i32
        %add3A_236 = arith.addi %add3A_180, %add3A_235 : i32
        %mul3A_237 = arith.constant 64 : i32
        %mul3A_238 = arith.muli %add3A_236, %mul3A_237 : i32
        %add3A_239 = arith.addi %min3A_29, %mul3A_238 : i32
        %dma_start3A_240 = arith.constant 0 : i32
        %dma_start3A_241 = tpu.memref_slice %arg3[%add3A_239, %dma_start3A_240] : memref<100000x256xf32, #tpu.memory_space<hbm>> -> memref<64x256xf32, #tpu.memory_space<hbm>>
        %dma_start3A_242 = arith.constant 0 : i32
        %dma_start3A_243 = tpu.memref_slice %arg3[%add3A_239, %dma_start3A_242] : memref<100000x256xf32, #tpu.memory_space<hbm>> -> memref<64x256xf32, #tpu.memory_space<hbm>>
        tpu.enqueue_dma source(%dma_start3A_243 : memref<64x256xf32, #tpu.memory_space<hbm>>) target(%arg10 : memref<64x256xf32, #tpu.memory_space<vmem>>) target_semaphore(%arg18 : memref<!tpu.dma_semaphore, #tpu.memory_space<semaphore_mem>>)
      } else {
      }
      %mul3A_193 = arith.constant 64 : i32
      %mul3A_194 = arith.muli %add3A_180, %mul3A_193 : i32
      %add3A_195 = arith.addi %min3A_29, %mul3A_194 : i32
      %dma_wait3A_196 = arith.constant 0 : i32
      %dma_wait3A_197 = tpu.memref_slice %arg3[%add3A_195, %dma_wait3A_196] : memref<100000x256xf32, #tpu.memory_space<hbm>> -> memref<64x256xf32, #tpu.memory_space<hbm>>
      %dma_wait3A_198 = arith.constant 0 : i32
      %dma_wait3A_199 = tpu.memref_slice %arg3[%add3A_195, %dma_wait3A_198] : memref<100000x256xf32, #tpu.memory_space<hbm>> -> memref<64x256xf32, #tpu.memory_space<hbm>>
      tpu.wait_dma2 semaphore(%arg21 : memref<!tpu.dma_semaphore, #tpu.memory_space<semaphore_mem>>) src(%dma_wait3A_199 : memref<64x256xf32, #tpu.memory_space<hbm>>) dst(%arg13 : memref<64x256xf32, #tpu.memory_space<vmem>>)
      %dma_start3A_200 = arith.constant 0 : i32
      %dma_start3A_201 = tpu.memref_slice %arg9[%add3A_180, %dma_start3A_200] : memref<50x64xi32, #tpu.memory_space<vmem>> -> memref<1x64xi32, #tpu.memory_space<vmem>>
      %dma_start3A_202 = tpu.memref_squeeze %dma_start3A_201 : memref<1x64xi32, #tpu.memory_space<vmem>> -> memref<64xi32, #tpu.memory_space<vmem>>
      %dma_start3A_203 = arith.constant 0 : i32
      %dma_start3A_204 = arith.constant 0 : i32
      %dma_start3A_205 = tpu.memref_slice %arg16[%dma_start3A_203, %dma_start3A_204] : memref<1032x256xf32, #tpu.memory_space<vmem_shared>> -> memref<1032x256xf32, #tpu.memory_space<vmem_shared>>
      tpu.enqueue_indirect_dma source(%arg13 : memref<64x256xf32, #tpu.memory_space<vmem>>) target(%dma_start3A_205 : memref<1032x256xf32, #tpu.memory_space<vmem_shared>>) offsets(%dma_start3A_202 : memref<64xi32, #tpu.memory_space<vmem>>) semaphore(%arg26 : memref<!tpu.dma_semaphore, #tpu.memory_space<semaphore_mem>>) {add = true}
      %mul3A_206 = arith.constant 5 : i32
      %mul3A_207 = arith.muli %scan3A_93, %mul3A_206 : i32
      %add3A_208 = arith.constant 4 : i32
      %add3A_209 = arith.addi %mul3A_207, %add3A_208 : i32
      %ge3A_210 = arith.constant 3 : i32
      %ge3A_211 = arith.cmpi sge, %add3A_209, %ge3A_210 : i32
      %convert_element_type3A_212 = arith.extui %ge3A_211 : i1 to i32
      %cond3A_213 = arith.constant 0 : i32
      %cond3A_214 = arith.cmpi ne, %convert_element_type3A_212, %cond3A_213 : i32
      scf.if %cond3A_214 {
        %sub3A_235 = arith.constant 3 : i32
        %sub3A_236 = arith.subi %add3A_209, %sub3A_235 : i32
        %dma_wait3A_237 = arith.constant 0 : i32
        %dma_wait3A_238 = tpu.memref_slice %arg9[%sub3A_236, %dma_wait3A_237] : memref<50x64xi32, #tpu.memory_space<vmem>> -> memref<1x64xi32, #tpu.memory_space<vmem>>
        %dma_wait3A_239 = tpu.memref_squeeze %dma_wait3A_238 : memref<1x64xi32, #tpu.memory_space<vmem>> -> memref<64xi32, #tpu.memory_space<vmem>>
        %dma_wait3A_240 = arith.constant 0 : i32
        %dma_wait3A_241 = arith.constant 0 : i32
        %dma_wait3A_242 = tpu.memref_slice %arg16[%dma_wait3A_240, %dma_wait3A_241] : memref<1032x256xf32, #tpu.memory_space<vmem_shared>> -> memref<1032x256xf32, #tpu.memory_space<vmem_shared>>
        tpu.wait_indirect_dma semaphore(%arg24 : memref<!tpu.dma_semaphore, #tpu.memory_space<semaphore_mem>>) src(%arg11 : memref<64x256xf32, #tpu.memory_space<vmem>>) dst(%dma_wait3A_242 : memref<1032x256xf32, #tpu.memory_space<vmem_shared>>)
      } else {
      }
      %add3A_215 = arith.constant 2 : i32
      %add3A_216 = arith.addi %add3A_209, %add3A_215 : i32
      %lt3A_217 = arith.constant 50 : i32
      %lt3A_218 = arith.cmpi slt, %add3A_216, %lt3A_217 : i32
      %convert_element_type3A_219 = arith.extui %lt3A_218 : i1 to i32
      %cond3A_220 = arith.constant 0 : i32
      %cond3A_221 = arith.cmpi ne, %convert_element_type3A_219, %cond3A_220 : i32
      scf.if %cond3A_221 {
        %add3A_235 = arith.constant 2 : i32
        %add3A_236 = arith.addi %add3A_209, %add3A_235 : i32
        %mul3A_237 = arith.constant 64 : i32
        %mul3A_238 = arith.muli %add3A_236, %mul3A_237 : i32
        %add3A_239 = arith.addi %min3A_29, %mul3A_238 : i32
        %dma_start3A_240 = arith.constant 0 : i32
        %dma_start3A_241 = tpu.memref_slice %arg3[%add3A_239, %dma_start3A_240] : memref<100000x256xf32, #tpu.memory_space<hbm>> -> memref<64x256xf32, #tpu.memory_space<hbm>>
        %dma_start3A_242 = arith.constant 0 : i32
        %dma_start3A_243 = tpu.memref_slice %arg3[%add3A_239, %dma_start3A_242] : memref<100000x256xf32, #tpu.memory_space<hbm>> -> memref<64x256xf32, #tpu.memory_space<hbm>>
        tpu.enqueue_dma source(%dma_start3A_243 : memref<64x256xf32, #tpu.memory_space<hbm>>) target(%arg11 : memref<64x256xf32, #tpu.memory_space<vmem>>) target_semaphore(%arg19 : memref<!tpu.dma_semaphore, #tpu.memory_space<semaphore_mem>>)
      } else {
      }
      %mul3A_222 = arith.constant 64 : i32
      %mul3A_223 = arith.muli %add3A_209, %mul3A_222 : i32
      %add3A_224 = arith.addi %min3A_29, %mul3A_223 : i32
      %dma_wait3A_225 = arith.constant 0 : i32
      %dma_wait3A_226 = tpu.memref_slice %arg3[%add3A_224, %dma_wait3A_225] : memref<100000x256xf32, #tpu.memory_space<hbm>> -> memref<64x256xf32, #tpu.memory_space<hbm>>
      %dma_wait3A_227 = arith.constant 0 : i32
      %dma_wait3A_228 = tpu.memref_slice %arg3[%add3A_224, %dma_wait3A_227] : memref<100000x256xf32, #tpu.memory_space<hbm>> -> memref<64x256xf32, #tpu.memory_space<hbm>>
      tpu.wait_dma2 semaphore(%arg22 : memref<!tpu.dma_semaphore, #tpu.memory_space<semaphore_mem>>) src(%dma_wait3A_228 : memref<64x256xf32, #tpu.memory_space<hbm>>) dst(%arg14 : memref<64x256xf32, #tpu.memory_space<vmem>>)
      %dma_start3A_229 = arith.constant 0 : i32
      %dma_start3A_230 = tpu.memref_slice %arg9[%add3A_209, %dma_start3A_229] : memref<50x64xi32, #tpu.memory_space<vmem>> -> memref<1x64xi32, #tpu.memory_space<vmem>>
      %dma_start3A_231 = tpu.memref_squeeze %dma_start3A_230 : memref<1x64xi32, #tpu.memory_space<vmem>> -> memref<64xi32, #tpu.memory_space<vmem>>
      %dma_start3A_232 = arith.constant 0 : i32
      %dma_start3A_233 = arith.constant 0 : i32
      %dma_start3A_234 = tpu.memref_slice %arg16[%dma_start3A_232, %dma_start3A_233] : memref<1032x256xf32, #tpu.memory_space<vmem_shared>> -> memref<1032x256xf32, #tpu.memory_space<vmem_shared>>
      tpu.enqueue_indirect_dma source(%arg14 : memref<64x256xf32, #tpu.memory_space<vmem>>) target(%dma_start3A_234 : memref<1032x256xf32, #tpu.memory_space<vmem_shared>>) offsets(%dma_start3A_231 : memref<64xi32, #tpu.memory_space<vmem>>) semaphore(%arg27 : memref<!tpu.dma_semaphore, #tpu.memory_space<semaphore_mem>>) {add = true}
    }
    %scan3A_51 = arith.constant 10 : i32
    %dma_wait3A = arith.constant 47 : i32
    %dma_wait3A_52 = arith.constant 0 : i32
    %dma_wait3A_53 = tpu.memref_slice %arg9[%dma_wait3A, %dma_wait3A_52] : memref<50x64xi32, #tpu.memory_space<vmem>> -> memref<1x64xi32, #tpu.memory_space<vmem>>
    %dma_wait3A_54 = tpu.memref_squeeze %dma_wait3A_53 : memref<1x64xi32, #tpu.memory_space<vmem>> -> memref<64xi32, #tpu.memory_space<vmem>>
    %dma_wait3A_55 = arith.constant 0 : i32
    %dma_wait3A_56 = arith.constant 0 : i32
    %dma_wait3A_57 = tpu.memref_slice %arg16[%dma_wait3A_55, %dma_wait3A_56] : memref<1032x256xf32, #tpu.memory_space<vmem_shared>> -> memref<1032x256xf32, #tpu.memory_space<vmem_shared>>
    tpu.wait_indirect_dma semaphore(%arg25 : memref<!tpu.dma_semaphore, #tpu.memory_space<semaphore_mem>>) src(%arg12 : memref<64x256xf32, #tpu.memory_space<vmem>>) dst(%dma_wait3A_57 : memref<1032x256xf32, #tpu.memory_space<vmem_shared>>)
    %dma_wait3A_58 = arith.constant 48 : i32
    %dma_wait3A_59 = arith.constant 0 : i32
    %dma_wait3A_60 = tpu.memref_slice %arg9[%dma_wait3A_58, %dma_wait3A_59] : memref<50x64xi32, #tpu.memory_space<vmem>> -> memref<1x64xi32, #tpu.memory_space<vmem>>
    %dma_wait3A_61 = tpu.memref_squeeze %dma_wait3A_60 : memref<1x64xi32, #tpu.memory_space<vmem>> -> memref<64xi32, #tpu.memory_space<vmem>>
    %dma_wait3A_62 = arith.constant 0 : i32
    %dma_wait3A_63 = arith.constant 0 : i32
    %dma_wait3A_64 = tpu.memref_slice %arg16[%dma_wait3A_62, %dma_wait3A_63] : memref<1032x256xf32, #tpu.memory_space<vmem_shared>> -> memref<1032x256xf32, #tpu.memory_space<vmem_shared>>
    tpu.wait_indirect_dma semaphore(%arg26 : memref<!tpu.dma_semaphore, #tpu.memory_space<semaphore_mem>>) src(%arg13 : memref<64x256xf32, #tpu.memory_space<vmem>>) dst(%dma_wait3A_64 : memref<1032x256xf32, #tpu.memory_space<vmem_shared>>)
    %dma_wait3A_65 = arith.constant 49 : i32
    %dma_wait3A_66 = arith.constant 0 : i32
    %dma_wait3A_67 = tpu.memref_slice %arg9[%dma_wait3A_65, %dma_wait3A_66] : memref<50x64xi32, #tpu.memory_space<vmem>> -> memref<1x64xi32, #tpu.memory_space<vmem>>
    %dma_wait3A_68 = tpu.memref_squeeze %dma_wait3A_67 : memref<1x64xi32, #tpu.memory_space<vmem>> -> memref<64xi32, #tpu.memory_space<vmem>>
    %dma_wait3A_69 = arith.constant 0 : i32
    %dma_wait3A_70 = arith.constant 0 : i32
    %dma_wait3A_71 = tpu.memref_slice %arg16[%dma_wait3A_69, %dma_wait3A_70] : memref<1032x256xf32, #tpu.memory_space<vmem_shared>> -> memref<1032x256xf32, #tpu.memory_space<vmem_shared>>
    tpu.wait_indirect_dma semaphore(%arg27 : memref<!tpu.dma_semaphore, #tpu.memory_space<semaphore_mem>>) src(%arg14 : memref<64x256xf32, #tpu.memory_space<vmem>>) dst(%dma_wait3A_71 : memref<1032x256xf32, #tpu.memory_space<vmem_shared>>)
    %scan3A_72 = arith.constant 0 : i32
    %scan3A_73 = arith.constant 0 : i32
    %scan3A_74 = arith.constant 50 : i32
    %scan3A_75 = arith.addi %scan3A_73, %scan3A_74 : i32
    %scan3A_76 = arith.constant 1 : i32
    scf.for %scan3A_93 = %scan3A_73 to %scan3A_75 step %scan3A_76  : i32 {
      %dma_wait3A_94 = arith.constant 0 : i32
      %dma_wait3A_95 = tpu.memref_slice %arg9[%scan3A_93, %dma_wait3A_94] : memref<50x64xi32, #tpu.memory_space<vmem>> -> memref<1x64xi32, #tpu.memory_space<vmem>>
      %dma_wait3A_96 = tpu.memref_squeeze %dma_wait3A_95 : memref<1x64xi32, #tpu.memory_space<vmem>> -> memref<64xi32, #tpu.memory_space<vmem>>
      %dma_wait3A_97 = arith.constant 0 : i32
      %dma_wait3A_98 = arith.constant 0 : i32
      %dma_wait3A_99 = tpu.memref_slice %arg17[%dma_wait3A_97, %dma_wait3A_98] : memref<1032x16xf32, #tpu.memory_space<vmem_shared>> -> memref<1032x16xf32, #tpu.memory_space<vmem_shared>>
      tpu.wait_indirect_dma semaphore(%arg28 : memref<!tpu.dma_semaphore, #tpu.memory_space<semaphore_mem>>) src(%arg15 : memref<64x16xf32, #tpu.memory_space<vmem>>) dst(%dma_wait3A_99 : memref<1032x16xf32, #tpu.memory_space<vmem_shared>>)
    }
    %scan3A_77 = arith.constant 50 : i32
    %barrier3A_78 = arith.constant 0 : index
    tpu.barrier barrier_id(%barrier3A_78)
    %mul3A_79 = arith.constant 64 : i32
    %mul3A_80 = arith.muli %arg1, %mul3A_79 : i32
    %mul3A_81 = arith.constant 1024 : i32
    %mul3A_82 = arith.muli %arg0, %mul3A_81 : i32
    %mul3A_83 = arith.constant 64 : i32
    %mul3A_84 = arith.muli %arg1, %mul3A_83 : i32
    %add3A_85 = arith.addi %mul3A_82, %mul3A_84 : i32
    "tpu.region"() ({
      %run_scoped3A = tpu.sem_alloc : memref<!tpu.dma_semaphore, #tpu.memory_space<semaphore_mem>>
      %dma_start3A_93 = arith.constant 0 : i32
      %dma_start3A_94 = tpu.memref_slice %arg7[%add3A_85, %dma_start3A_93] : memref<2048x256xf32, #tpu.memory_space<hbm>> -> memref<64x256xf32, #tpu.memory_space<hbm>>
      %dma_start3A_95 = arith.constant 0 : i32
      %dma_start3A_96 = tpu.memref_slice %arg16[%mul3A_80, %dma_start3A_95] : memref<1032x256xf32, #tpu.memory_space<vmem_shared>> -> memref<64x256xf32, #tpu.memory_space<vmem_shared>>
      tpu.enqueue_dma source(%dma_start3A_96 : memref<64x256xf32, #tpu.memory_space<vmem_shared>>) target(%dma_start3A_94 : memref<64x256xf32, #tpu.memory_space<hbm>>) target_semaphore(%run_scoped3A : memref<!tpu.dma_semaphore, #tpu.memory_space<semaphore_mem>>)
      %dma_wait3A_97 = arith.constant 0 : i32
      %dma_wait3A_98 = tpu.memref_slice %arg7[%add3A_85, %dma_wait3A_97] : memref<2048x256xf32, #tpu.memory_space<hbm>> -> memref<64x256xf32, #tpu.memory_space<hbm>>
      %dma_wait3A_99 = arith.constant 0 : i32
      %dma_wait3A_100 = tpu.memref_slice %arg16[%mul3A_80, %dma_wait3A_99] : memref<1032x256xf32, #tpu.memory_space<vmem_shared>> -> memref<64x256xf32, #tpu.memory_space<vmem_shared>>
      tpu.wait_dma2 semaphore(%run_scoped3A : memref<!tpu.dma_semaphore, #tpu.memory_space<semaphore_mem>>) src(%dma_wait3A_100 : memref<64x256xf32, #tpu.memory_space<vmem_shared>>) dst(%dma_wait3A_98 : memref<64x256xf32, #tpu.memory_space<hbm>>)
      tpu.yield
    }) : () -> ()
    %mul3A_86 = arith.constant 64 : i32
    %mul3A_87 = arith.muli %arg1, %mul3A_86 : i32
    %mul3A_88 = arith.constant 1024 : i32
    %mul3A_89 = arith.muli %arg0, %mul3A_88 : i32
    %mul3A_90 = arith.constant 64 : i32
    %mul3A_91 = arith.muli %arg1, %mul3A_90 : i32
    %add3A_92 = arith.addi %mul3A_89, %mul3A_91 : i32
    "tpu.region"() ({
      %run_scoped3A = tpu.sem_alloc : memref<!tpu.dma_semaphore, #tpu.memory_space<semaphore_mem>>
      %dma_start3A_93 = arith.constant 0 : i32
      %dma_start3A_94 = tpu.memref_slice %arg8[%add3A_92, %dma_start3A_93] : memref<2048x16xf32, #tpu.memory_space<hbm>> -> memref<64x16xf32, #tpu.memory_space<hbm>>
      %dma_start3A_95 = arith.constant 0 : i32
      %dma_start3A_96 = tpu.memref_slice %arg17[%mul3A_87, %dma_start3A_95] : memref<1032x16xf32, #tpu.memory_space<vmem_shared>> -> memref<64x16xf32, #tpu.memory_space<vmem_shared>>
      tpu.enqueue_dma source(%dma_start3A_96 : memref<64x16xf32, #tpu.memory_space<vmem_shared>>) target(%dma_start3A_94 : memref<64x16xf32, #tpu.memory_space<hbm>>) target_semaphore(%run_scoped3A : memref<!tpu.dma_semaphore, #tpu.memory_space<semaphore_mem>>)
      %dma_wait3A_97 = arith.constant 0 : i32
      %dma_wait3A_98 = tpu.memref_slice %arg8[%add3A_92, %dma_wait3A_97] : memref<2048x16xf32, #tpu.memory_space<hbm>> -> memref<64x16xf32, #tpu.memory_space<hbm>>
      %dma_wait3A_99 = arith.constant 0 : i32
      %dma_wait3A_100 = tpu.memref_slice %arg17[%mul3A_87, %dma_wait3A_99] : memref<1032x16xf32, #tpu.memory_space<vmem_shared>> -> memref<64x16xf32, #tpu.memory_space<vmem_shared>>
      tpu.wait_dma2 semaphore(%run_scoped3A : memref<!tpu.dma_semaphore, #tpu.memory_space<semaphore_mem>>) src(%dma_wait3A_100 : memref<64x16xf32, #tpu.memory_space<vmem_shared>>) dst(%dma_wait3A_98 : memref<64x16xf32, #tpu.memory_space<hbm>>)
      tpu.yield
    }) : () -> ()
    return
  }
}

module attributes {stable_mosaic.version = 14 : i64} {
  func.func @_mlp_body(%arg0: memref<2048x256xf32, #tpu.memory_space<vmem>>, %arg1: memref<2048x16xf32, #tpu.memory_space<vmem>>, %arg2: memref<256x512xf32, #tpu.memory_space<vmem>>, %arg3: memref<1x512xf32, #tpu.memory_space<vmem>>, %arg4: memref<512x16xf32, #tpu.memory_space<vmem>>, %arg5: memref<1x16xf32, #tpu.memory_space<vmem>>, %arg6: memref<1024x16xf32, #tpu.memory_space<vmem>>) attributes {dimension_semantics = [], scalar_prefetch = 0 : i64, scratch_operands = 0 : i64, tpu.core_type = #tpu.core_type<tc>} {
    %get3A = arith.constant 0 : index
    %get3A_0 = arith.constant 0 : index
    %get3A_1 = vector.load %arg0[%get3A, %get3A_0] : memref<2048x256xf32, #tpu.memory_space<vmem>>, vector<1024x256xf32>
    %get3A_2 = arith.constant 1024 : index
    %get3A_3 = arith.constant 0 : index
    %get3A_4 = vector.load %arg0[%get3A_2, %get3A_3] : memref<2048x256xf32, #tpu.memory_space<vmem>>, vector<1024x256xf32>
    %add3A = arith.addf %get3A_1, %get3A_4 : vector<1024x256xf32>
    %get3A_5 = arith.constant 0 : index
    %get3A_6 = arith.constant 0 : index
    %get3A_7 = vector.load %arg1[%get3A_5, %get3A_6] : memref<2048x16xf32, #tpu.memory_space<vmem>>, vector<1024x16xf32>
    %get3A_8 = arith.constant 1024 : index
    %get3A_9 = arith.constant 0 : index
    %get3A_10 = vector.load %arg1[%get3A_8, %get3A_9] : memref<2048x16xf32, #tpu.memory_space<vmem>>, vector<1024x16xf32>
    %add3A_11 = arith.addf %get3A_7, %get3A_10 : vector<1024x16xf32>
    %slice3A = vector.extract_strided_slice %add3A_11 {offsets = [0, 0], sizes = [1024, 1], strides = [1, 1]} : vector<1024x16xf32> to vector<1024x1xf32>
    %max3A = arith.constant 1.000000e+00 : f32
    %max3A_12 = vector.broadcast %max3A : f32 to vector<1024x1xf32>
    %max3A_13 = arith.maximumf %slice3A, %max3A_12 : vector<1024x1xf32>
    %div3A = vector.broadcast %max3A_13 : vector<1024x1xf32> to vector<1024x256xf32>
    %div3A_14 = arith.divf %add3A, %div3A : vector<1024x256xf32>
    %get3A_15 = arith.constant 0 : index
    %get3A_16 = arith.constant 0 : index
    %get3A_17 = vector.load %arg2[%get3A_15, %get3A_16] : memref<256x512xf32, #tpu.memory_space<vmem>>, vector<256x512xf32>
    %dot_general3A = arith.constant dense<0.000000e+00> : vector<1024x512xf32>
    %dot_general3A_18 = tpu.matmul %div3A_14, %get3A_17, %dot_general3A {dimension_numbers = #tpu.dot_dimension_numbers<[1], [0], [0], [1], [0, 0, 1, 1], [], []>, transpose_lhs_hint = false} : vector<1024x256xf32>, vector<256x512xf32>, vector<1024x512xf32> -> vector<1024x512xf32>
    %get3A_19 = arith.constant 0 : index
    %get3A_20 = arith.constant 0 : index
    %get3A_21 = vector.load %arg3[%get3A_19, %get3A_20] : memref<1x512xf32, #tpu.memory_space<vmem>>, vector<1x512xf32>
    %add3A_22 = vector.broadcast %get3A_21 : vector<1x512xf32> to vector<1024x512xf32>
    %add3A_23 = arith.addf %dot_general3A_18, %add3A_22 : vector<1024x512xf32>
    %max3A_24 = arith.constant 0.000000e+00 : f32
    %max3A_25 = vector.broadcast %max3A_24 : f32 to vector<1024x512xf32>
    %max3A_26 = arith.maximumf %add3A_23, %max3A_25 : vector<1024x512xf32>
    %get3A_27 = arith.constant 0 : index
    %get3A_28 = arith.constant 0 : index
    %get3A_29 = vector.load %arg4[%get3A_27, %get3A_28] : memref<512x16xf32, #tpu.memory_space<vmem>>, vector<512x16xf32>
    %dot_general3A_30 = arith.constant dense<0.000000e+00> : vector<1024x16xf32>
    %dot_general3A_31 = tpu.matmul %max3A_26, %get3A_29, %dot_general3A_30 {dimension_numbers = #tpu.dot_dimension_numbers<[1], [0], [0], [1], [0, 0, 1, 1], [], []>, transpose_lhs_hint = false} : vector<1024x512xf32>, vector<512x16xf32>, vector<1024x16xf32> -> vector<1024x16xf32>
    %get3A_32 = arith.constant 0 : index
    %get3A_33 = arith.constant 0 : index
    %get3A_34 = vector.load %arg5[%get3A_32, %get3A_33] : memref<1x16xf32, #tpu.memory_space<vmem>>, vector<1x16xf32>
    %add3A_35 = vector.broadcast %get3A_34 : vector<1x16xf32> to vector<1024x16xf32>
    %add3A_36 = arith.addf %dot_general3A_31, %add3A_35 : vector<1024x16xf32>
    %swap3A = arith.constant 0 : index
    %swap3A_37 = arith.constant 0 : index
    %swap3A_38 = vector.load %arg6[%swap3A, %swap3A_37] : memref<1024x16xf32, #tpu.memory_space<vmem>>, vector<1024x16xf32>
    tpu.vector_store %arg6[%swap3A, %swap3A_37], %add3A_36 {strides = array<i32>} : memref<1024x16xf32, #tpu.memory_space<vmem>>, vector<1024x16xf32>,
    return
  }
}

</mosaic_0001>

<sc_bundles>
// kernel: kernel.4.cloned.1.call-start
scs
__scs_entry_jumppad:
0x0: {  	(pc) =	sbr.rel $0x88, $3  }
0x1: {  	(tag) =	ssettag $0x0;
	lr =	simm.s32 $0x1  }
0x2: {  	[smem:$0x3F9B] =	sst lr;
	_ =	strace $0xD0000000  }
0x3: {  	_ = 	snop  }
0x4: {  	_ = 	snop  }
0x5: {  	_ = 	snop  }
0x6: {  	_ = 	snop  }
0x7: {  	_ = 	snop  }
__scs_overlays_trampoline_lowered:
0x8: {  	[smem:$0x3FAA] =	sst s0  }
0x9: {  	[smem:$0x3FAB] =	sst s1  }
0xa: {  	[smem:$0x3FAC] =	sst s2  }
0xb: {  	[smem:$0x3FAD] =	sst s3  }
0xc: {  	[smem:$0x3FAE] =	sst s4  }
0xd: {  	[smem:$0x3FAF] =	sst s5  }
0xe: {  	[smem:$0x3FB0] =	sst s6  }
0xf: {  	[smem:$0x3FB1] =	sst s7  }
0x10: {  	[smem:$0x3FB2] =	sst s8  }
0x11: {  	[smem:$0x3FB3] =	sst s9;
	s0 =	simm.s32 @!p0 $0x0  }
0x12: {  	s1 =	sld [smem:$0x3F99];
	s0 =	simm.s32 @p0 $0x1  }
0x13: {  	[smem:$0x3FB4] =	sst s0;
	s0 =	simm.s32 @!p1 $0x0  }
0x14: {  	s2 =	sld [smem:$0x3F98];
	s0 =	simm.s32 @p1 $0x1  }
0x15: {  	[smem:$0x3FB5] =	sst s0;
	s0 =	simm.s32 @!p2 $0x0  }
0x16: {  	s3 =	sld [smem:$0x3FDB];
	s0 =	simm.s32 @p2 $0x1  }
0x17: {  	s4 =	simm.s32 $0x1BF5;
	[smem:$0x3FB7] =	sst s0  }
0x18: {  	s0 =	sld [smem:$0x3F9A];
	_ =	swait.ge [sflag:s4], $0x0  }
0x19: {  	s7 =	sld [smem:$0x3F9B]  }
0x1a: {  	s8 =	sadd.s32 $0xFFFFE003, lr  }
0x1b: {  	s9 =	sadd.s32 $0xFFFFFEF7, lr;
	s5 =	simm.s32 $0xFFFFFFFF;
	p2 =	slt.u32 s8, $0xFFFFF086  }
0x1c: {  	p1 =	slt.u32 s9, $0xF7A;
	s5 =	simm.s32 @!p2 $0x0  }
0x1d: {  	s5 =	simm.s32 @p1 $0x1;
	p0 =	seq.s32 s7, s2  }
0x1e: {  	s7 =	smul.u32 @!p0 $0xF7A, s2;
	p2 =	seq.s32 @!p0 s5, $0x0  }
0x1f: {  	s9 =	smul.u32 $0xF7A, s1;
	s8 =	simm.s32 @!p0 $0x1BF5;
	p2 =	por !p2, p0  }
0x20: {  	[sflag:s8] =	ssyncset.s32 @!p0 $0xFFFFF086;
	s6 =	sadd.s32 @!p0 s3, s7;
	s7 =	simm.s32 @!p0 $0x108  }
0x21: {  	s3 =	sadd.s32 s3, s9;
	s6 =	sadd.s32 @!p0 $0x88, s6;
	s7 =	simm.s32 @p2 $0x1082  }
0x22: {  	[simem:s7], [sflag:s8] =	dma.local @!p0 [hbm:s6], $0xF7A  }
0x23: {  	s9 =	sor.u32 $0xD0000000, s2;
	s6 =	simm.s32 $0x108;
	_ =	swait.ge @!p0 [sflag:s8], $0x0  }
0x24: {  	s3 =	sadd.s32 $0x88, s3;
	s6 =	simm.s32 @!p1 $0x1082;
	[sflag:s4] =	ssyncset.s32 $0xFFFFF086  }
0x25: {  	[simem:s6], [sflag:s4] =	dma.local [hbm:s3], $0xF7A  }
0x26: {  	[smem:$0x3F9B] =	sst s1;
	(tag) =	ssettag s2;
	_ =	strace s9  }
0x27: {  	s1 =	sld [smem:$0x3FAB]  }
0x28: {  	s2 =	sld [smem:$0x3FAC]  }
0x29: {  	s4 =	sld [smem:$0x3FAE]  }
0x2a: {  	p0 =	seq.s32 s5, $0x0;
	s5 =	sld [smem:$0x3FAF]  }
0x2b: {  	s6 =	sld [smem:$0x3FB0]  }
0x2c: {  	s7 =	sld [smem:$0x3FB1]  }
0x2d: {  	s3 =	simm.s32 $0x108;
	s8 =	sld [smem:$0x3FB2]  }
0x2e: {  	s3 =	simm.s32 @!p0 $0x1082;
	s9 =	sld [smem:$0x3FB3]  }
0x2f: {  	lr =	sadd.s32 s0, s3;
	s0 =	sld [smem:$0x3FAA]  }
0x30: {  	s3 =	sld [smem:$0x3FAD]  }
0x31: {  	[smem:$0x3FB6] =	sst s10  }
0x32: {  	s10 =	sld [smem:$0x3FB4];
	_ =	sdelay $0x3  }
0x33: {  	p0 =	seq.s32 s10, $0x1;
	s10 =	sld [smem:$0x3FB6];
	_ =	sdelay $0x3  }
0x34: {  	[smem:$0x3FB6] =	sst s10  }
0x35: {  	s10 =	sld [smem:$0x3FB5];
	_ =	sdelay $0x3  }
0x36: {  	p1 =	seq.s32 s10, $0x1;
	s10 =	sld [smem:$0x3FB6];
	_ =	sdelay $0x3  }
0x37: {  	[smem:$0x3FB6] =	sst s10  }
0x38: {  	s10 =	sld [smem:$0x3FB7]  }
0x39: {  	_ = 	snop;
	(pc) =	sbr.ind lr, $3  }
0x3a: {  	_ = 	snop  }
0x3b: {  	_ = 	snop  }
0x3c: {  	p2 =	seq.s32 s10, $0x1;
	s10 =	sld [smem:$0x3FB6]  }
0x3d: {  	_ =	shalt  }
0x3e: {  	_ =	shalt  }
0x3f: {  	_ =	shalt  }
0x40: {  	_ =	shalt  }
0x41: {  	_ =	shalt  }
0x42: {  	_ =	shalt  }
0x43: {  	_ =	shalt  }
0x44: {  	_ =	shalt  }
0x45: {  	_ =	shalt  }
0x46: {  	_ =	shalt  }
0x47: {  	_ =	shalt  }
0x48: {  	_ =	shalt  }
0x49: {  	_ =	shalt  }
0x4a: {  	_ =	shalt  }
0x4b: {  	_ =	shalt  }
0x4c: {  	_ =	shalt  }
0x4d: {  	_ =	shalt  }
0x4e: {  	_ =	shalt  }
0x4f: {  	_ =	shalt  }
0x50: {  	_ =	shalt  }
0x51: {  	_ =	shalt  }
0x52: {  	_ =	shalt  }
0x53: {  	_ =	shalt  }
0x54: {  	_ =	shalt  }
0x55: {  	_ =	shalt  }
0x56: {  	_ =	shalt  }
0x57: {  	_ =	shalt  }
0x58: {  	_ =	shalt  }
0x59: {  	_ =	shalt  }
0x5a: {  	_ =	shalt  }
0x5b: {  	_ =	shalt  }
0x5c: {  	_ =	shalt  }
0x5d: {  	_ =	shalt  }
0x5e: {  	_ =	shalt  }
0x5f: {  	_ =	shalt  }
0x60: {  	_ =	shalt  }
0x61: {  	_ =	shalt  }
0x62: {  	_ =	shalt  }
0x63: {  	_ =	shalt  }
0x64: {  	_ =	shalt  }
0x65: {  	_ =	shalt  }
0x66: {  	_ =	shalt  }
0x67: {  	_ =	shalt  }
0x68: {  	_ =	shalt  }
0x69: {  	_ =	shalt  }
0x6a: {  	_ =	shalt  }
0x6b: {  	_ =	shalt  }
0x6c: {  	_ =	shalt  }
0x6d: {  	_ =	shalt  }
0x6e: {  	_ =	shalt  }
0x6f: {  	_ =	shalt  }
0x70: {  	_ =	shalt  }
0x71: {  	_ =	shalt  }
0x72: {  	_ =	shalt  }
0x73: {  	_ =	shalt  }
0x74: {  	_ =	shalt  }
0x75: {  	_ =	shalt  }
0x76: {  	_ =	shalt  }
0x77: {  	_ =	shalt  }
0x78: {  	_ =	shalt  }
0x79: {  	_ =	shalt  }
0x7a: {  	_ =	shalt  }
0x7b: {  	_ =	shalt  }
0x7c: {  	_ =	shalt  }
0x7d: {  	_ =	shalt  }
0x7e: {  	_ =	shalt  }
0x7f: {  	_ =	shalt  }
0x80: {  	_ =	shalt  }
0x81: {  	_ =	shalt  }
0x82: {  	_ =	shalt  }
0x83: {  	_ =	shalt  }
0x84: {  	_ =	shalt  }
0x85: {  	_ =	shalt  }
0x86: {  	_ =	shalt  }
0x87: {  	_ =	shalt  }
.Lfunc_end0:
.L_simem_size_0:
called_computation.1_lowered:
.L_overlay_start_0:
0x88: {  	s2 =	sld [smem:$0x3FD9]  }
0x89: {  	s3 =	sld [smem:$0x3FFE];
	_ =	sdelay $0x1  }
0x8a: {  	s1 =	srdreg.scid  }
0x8b: {  	s0 =	sand.u32 $0x1, s1  }
0x8c: {  	s17 =	sshll.u32 s0, $0xA;
	s2 =	sadd.s32 s3, s2  }
0x8d: {  	s2 =	sadd.s32 s2, s17  }
0x8e: {  	[smem:$0x3FC2] =	sst s2  }
0x8f: {  	_ = 	snop  }
0x90: {  	s2 =	sld [smem:$0x3FD0];
	(tm) =	ssettm $0x1  }
0x91: {  	s18 =	sld [smem:$0x3FFB];
	_ =	sdelay $0x3  }
0x92: {  	_ =	strace s18  }
0x93: {  	s3 =	sld [smem:$0x3FFC];
	_ =	sdelay $0x3  }
0x94: {  	_ =	strace s3  }
0x95: {  	s3 =	sld [smem:$0x3FFD];
	_ =	sdelay $0x3  }
0x96: {  	_ =	strace s3  }
0x97: {  	_ =	strace $0x8FFFFFFF  }
0x98: {  	s19 =	sld [smem:$0x3FDB];
	_ =	sdelay $0x1  }
0x99: {  	s4 =	simm.s32 $_scs_section_size  }
0x9a: {  	s5 =	simm.s32 $_size__tile_overlayer_lowered;
	s6 =	simm.s32 $_tile_overlayer_lowered  }
0x9b: {  	s22 =	simm.s32 $0x1BFF;
	s21 =	sshll.u32 s6, $0x1;
	s3 =	sadd.s32 s4, s19  }
0x9c: {  	s7 =	simm.s32 $0x0;
	s20 =	sshll.u32 s5, $0x1;
	s5 =	sadd.s32 s21, s3  }
0x9d: {  	[timem:s7], [sflag:s22] =	dma.local [hbm:s5], s20  }
0x9e: {  	_ =	swait.ge [sflag:s22], s20  }
0x9f: {  	s4 =	ssub.s32 $0x0, s20;
	[sflag:s22] =	ssyncset.done $0x0  }
0xa0: {  	[sflag:s22] =	ssyncadd.s32 s4;
	_ =	sdelay $0x1  }
0xa1: {  	s23 =	simm.s32 $0x1B8B  }
0xa2: {  	_ =	swait.ge [sflag:s23], $0x1  }
0xa3: {  	[sflag:s23] =	ssyncset.done $0x0  }
0xa4: {  	s25 =	simm.s32 $0x1B8E;
	s24 =	sld [smem:$0x3FFE];
	[sflag:s23] =	ssyncadd.s32 $0xFFFFFFFF  }
0xa5: {  	s26 =	simm.s32 $execute0_lowered;
	[smem:$0x3FD2] =	sst s25  }
0xa6: {  	s5 =	sshll.u32 s26, $0x1;
	_ =	strace $0x80000049;
	[dreg:$0x1] =	wrdreg $0xFFFFFFFF  }
0xa7: {  	s28 =	simm.s32 $_size_execute0_lowered;
	s3 =	sadd.s32 s3, s5;
	[dreg:$0x0] =	wrdreg $0x0  }
0xa8: {  	s5 =	sshll.u32 s28, $0x1;
	[dreg:$0x2] =	wrdreg s3  }
0xa9: {  	[dreg:$0x3] =	wrdreg s5  }
0xaa: {  	[dreg:$0x4] =	wrdreg $0xC0  }
0xab: {  	_ =	task [dreg:s7], $0x5FFFF  }
0xac: {  	[dreg:$0x1] =	wrdreg $0xFFFFFFFF  }
0xad: {  	[dreg:$0x0] =	wrdreg $0x60  }
0xae: {  	[dreg:$0x2] =	wrdreg s24  }
0xaf: {  	[dreg:$0x3] =	wrdreg s2  }
0xb0: {  	[dreg:$0x4] =	wrdreg $0x150800  }
0xb1: {  	[dreg:$0x5] =	wrdreg $0x191000  }
0xb2: {  	[dreg:$0x6] =	wrdreg $0x9  }
0xb3: {  	_ =	task.clear_ibuf [dreg:s7], $0x7FFFF;
	_ =	strace $0x90000049  }
0xb4: {  	s29 =	simm.s32 $0x9;
	_ =	strace $0x8000004B  }
0xb5: {  	_ =	swait.ge [sflag:s29], $0x1  }
0xb6: {  	[sflag:s29] =	ssyncadd.s32 $0xFFFFFFFF  }
0xb7: {  	_ =	strace $0x9000004B  }
0xb8: {  	_ =	sfence  }
0xb9: {  	s30 =	sld [smem:$0x0];
	_ =	sdelay $0x2  }
0xba: {  	s31 =	sshll.u32 s1, $0xD;
	s1 =	sshrl.u32 s1, $0x2  }
0xbb: {  	s3 =	sand.u32 $0x4000, s31;
	s1 =	sadd.s32 s1, s30  }
0xbc: {  	s0 =	sor.u32 s3, s0;
	s1 =	sshll.u32 s1, $0x11  }
0xbd: {  	s0 =	sor.u32 s1, s0  }
0xbe: {  	s0 =	sadd.s32 $0x8F2B, s0  }
0xbf: {  	[sflag:s0] =	ssyncadd.remote.s32 $0x1  }
0xc0: {  	_ =	sfence.sel $0xFFFF  }
0xc1: {  	[dreg:$0x0] =	wrdreg $0xFFFFFFFF;
	(pc) =	sbr.abs _section_cstart, $3  }
0xc2: {  	[dreg:$0x1] =	wrdreg $0xFFFFFFFF  }
0xc3: {  	_ =	task.clear_ibuf [dreg:s7], $0x2FFFF;
	_ =	strace $0x9FFFFFFF  }
0xc4: {  	(tm) =	ssettm $0x7FFFFFFF  }
0xc5: {  	_ =	shalt  }
tec
execute0_lowered:
.L_overlay_start_1:
0x0: {  	(tag) =	ssettag $0x1  }
0x1: {  	s0 =	rddreg [dreg:$0x0]  }
0x2: {  	s1 =	rddreg [dreg:$0x1];
	s3 =	srdreg.scid  }
0x3: {  	s15 =	stileid.u32;
	s2 =	rddreg [dreg:$0x2]  }
0x4: {  	s31 =	simm.s32 $0xCC80;
	s28 =	simm.s32 $0x3;
	s29 =	simm.s32 $0x6  }
0x5: {  	s30 =	simm.s32 $0x5;
	s5 =	sand.u32 $0x1, s3;
	s4 =	sshll.u32 s15, $0x1  }
0x6: {  	s3 =	rddreg [dreg:$0x3];
	s8 =	sshll.u32 s15, $0xB;
	s9 =	sshll.u32 s15, $0x6  }
0x7: {  	s11 =	sadd.s32 $0x1C00, s0;
	s12 =	sadd.s32 $0x31A200, s0;
	s17 =	sshll.u32 s15, $0xE  }
0x8: {  	s18 =	smul.u32 $0x186A, s15;
	s20 =	sshll.u32 s15, $0xA;
	s21 =	sshll.u32 s15, $0x7  }
0x9: {  	s15 =	simm.s32 $0xC;
	s6 =	sor.u32 s5, s4;
	s4 =	simm.s32 $0x0  }
0xa: {  	s10 =	sshll.u32 s5, $0xA;
	s8 =	sadd.s32 s8, s0;
	s13 =	ssub.s32 $0x2, s5  }
0xb: {  	s5 =	smul.u32 $0xC35, s5;
	s19 =	sadd.s32 s20, s3;
	s1 =	sadd.s32 s1, s21  }
0xc: {  	s20 =	simm.s32 $0x40;
	s21 =	simm.s32 $0xC80;
	s7 =	smul.u32 $0x190, s6  }
0xd: {  	[smem:$0x7FF] =	sst s4;
	s10 =	sor.u32 s9, s10;
	s6 =	smul.u32 $0xC35, s6  }
0xe: {  	s8 =	sadd.s32 $0x312200, s8;
	_ =	strace $0x8000004A;
	[dreg:$0x6] =	wrdreg s12  }
0xf: {  	s19 =	sshrl.u32 s19, $0x3;
	s14 =	sshll.u32 s10, $0x5;
	[dreg:$0x8] =	wrdreg s8  }
0x10: {  	s10 =	sshll.u32 s10, $0x1;
	s5 =	sadd.s32 s5, s18;
	[dreg:$0xa] =	wrdreg s1  }
0x11: {  	[dreg:$0x5] =	wrdreg s31;
	s7 =	sadd.s32 s7, s0;
	s12 =	sadd.s32 s14, s0  }
0x12: {  	s14 =	sshrl.u32 s13, $0x1;
	s0 =	sadd.s32 s10, s0;
	s6 =	sand.u32 $0x1FFF8, s6  }
0x13: {  	s5 =	sand.u32 $0x3FFF8, s5;
	s16 =	ssub.s32 s13, s14;
	s7 =	sadd.s32 $0x30F000, s7  }
0x14: {  	s6 =	smin.u32 s6, $0x17A20;
	s23 =	smin.u32 s5, $0x17A20;
	s24 =	sadd.s32 $0x31A400, s12  }
0x15: {  	s0 =	sadd.s32 $0x32A400, s0;
	s5 =	simm.s32 $0xB;
	[dreg:$0x7] =	wrdreg s7  }
0x16: {  	s7 =	sadd.s32 s17, s2;
	s6 =	sshll.u32 s6, $0x5;
	[dreg:$0xc] =	wrdreg s24  }
0x17: {  	[dreg:$0xd] =	wrdreg s0;
	s25 =	sshll.u32 s23, $0x5;
	s26 =	smax.u32 s16, $0x1  }
0x18: {  	s16 =	simm.s32 $0x14C80;
	s17 =	sor.u32 $0x1C0C, s9;
	s23 =	simm.s32 $0x8C80  }
0x19: {  	s24 =	simm.s32 $0x1;
	s6 =	sadd.s32 s11, s6;
	[dreg:$0xe] =	wrdreg s26  }
0x1a: {  	s14 =	sadd.s32 s25, s11;
	s18 =	sshrl.u32 s7, $0x3;
	s25 =	simm.s32 $0x2  }
0x1b: {  	s26 =	simm.s32 $0x10C80;
	[dreg:$0x9] =	wrdreg s6;
	s22 =	sadd.s32 $0x800, s6  }
0x1c: {  	s6 =	simm.s32 $0x0;
	[dreg:$0xb] =	wrdreg s22;
	s22 =	simm.s32 $0x4C80  }
.LBB2_1:
0x1d: {  	s0 =	rddreg [dreg:$0x7]  }
0x1e: {  	[tilespmem:s4], [sflag:$0xC] =	stream.linear.gather [hbm4b:s0+s4], $0xC80, $0x38;
	[tilespmem:$0x19508] =	vst v63  }
0x1f: {  	_ =	swait.ge [sflag:s15], $0xC80  }
0x20: {  	[sflag:s15] =	ssyncset.done $0x0  }
0x21: {  	s12 =	rddreg [dreg:$0x6];
	[sflag:s15] =	ssyncadd.s32 $0xFFFFF380  }
0x22: {  	[tilespmem:s16], [sflag:$0xC] =	stream.linear.gather [hbm4b:s12+s4], $0x400, $0x38;
	[tilespmem:$0x19508] =	vst v63  }
0x23: {  	_ =	swait.ge [sflag:s15], $0x400  }
0x24: {  	[sflag:s15] =	ssyncset.done $0x0  }
0x25: {  	s13 =	rddreg [dreg:$0x8];
	[sflag:s15] =	ssyncadd.s32 $0xFFFFFC00  }
0x26: {  	[spmem:s18], [sflag:s17] =	dma.local [hbm:s13], $0x800  }
0x27: {  	_ =	swait.ge [sflag:s15], $0x800  }
0x28: {  	[sflag:s15] =	ssyncset.done $0x0  }
0x29: {  	s31 =	rddreg [dreg:$0xa];
	[sflag:s15] =	ssyncadd.s32 $0xFFFFF800  }
0x2a: {  	[spmem:s19], [sflag:s17] =	dma.local [hbm:s31], $0x80  }
0x2b: {  	_ =	swait.ge [sflag:s15], $0x80  }
0x2c: {  	[sflag:s15] =	ssyncset.done $0x0  }
0x2d: {  	[sflag:s15] =	ssyncadd.s32 $0xFFFFFF80  }
0x2e: {  	s7 =	simm.s32 $0x100;
	s9 =	simm.s32 $0x0;
	[bflag:$0x0] =	sbarrier.arrive $0xFFFF  }
.LBB2_2:
0x2f: {  	[spmem:s3] =	stream.indirect.scatter.add.f32 [tilespmem:s16], [sflag:$0xB], $0x10, s9, s20, $0xb8;
	[tilespmem:$0x19508] =	vst v63  }
0x30: {  	s9 =	smov.u32 s7;
	p0 =	sne.s32 s7, $0x3100  }
.Ltmp0:
0x31: {  	s7 =	sadd.s32 $0x100, s7;
	(pc) =	sbr.rel @p0 .LBB2_2-.Ltmp0, $2  }
0x32: {  	_ =	sdelay $0x2  }
0x33: {  	s9 =	sshra.s32 s9, $0x2  }
0x34: {  	[spmem:s3] =	stream.indirect.scatter.add.f32 [tilespmem:s16], [sflag:$0xB], $0x10, s9, s20, $0xb8;
	[tilespmem:$0x19508] =	vst v63  }
0x35: {  	s7 =	simm.s32 $0x0;
	s0 =	rddreg [dreg:$0x9];
	p0 =	por $0x1, $0x1  }
0x36: {  	[tilespmem:s21], [sflag:$0x1] =	stream.linear.gather [hbm4b:s0+s7], $0x4000, $0x38;
	[tilespmem:$0x19508] =	vst v63  }
0x37: {  	s31 =	rddreg [dreg:$0xb];
	s9 =	simm.s32 @!p0 $0x8  }
0x38: {  	[tilespmem:s22], [sflag:$0x2] =	stream.linear.gather [hbm4b:s31+s7], $0x4000, $0x38;
	[tilespmem:$0x19508] =	vst v63  }
0x39: {  	_ =	swait.ge @!p0 [sflag:s9], $0x4000  }
0x3a: {  	s10 =	sadd.s32 $0x0, s14;
	[sflag:s9] =	ssyncset.done @!p0 $0x0  }
0x3b: {  	s1 =	sadd.s32 $0x1000, s10;
	[sflag:s9] =	ssyncadd.s32 @!p0 $0xFFFFC000  }
0x3c: {  	[tilespmem:s23], [sflag:$0x3] =	stream.linear.gather [hbm4b:s1+s4], $0x4000, $0x38;
	[tilespmem:$0x19508] =	vst v63  }
0x3d: {  	_ =	swait.ge [sflag:s24], $0x4000  }
0x3e: {  	[sflag:s24] =	ssyncset.done $0x0  }
0x3f: {  	s9 =	simm.s32 @!p0 $0x9;
	[sflag:s24] =	ssyncadd.s32 $0xFFFFC000  }
0x40: {  	[spmem:s2] =	stream.indirect.scatter.add.f32 [tilespmem:s21], [sflag:$0x6], $0x100, s7, s20, $0xb8;
	[tilespmem:$0x19508] =	vst v63  }
0x41: {  	_ =	swait.ge @!p0 [sflag:s9], $0x4000  }
0x42: {  	[sflag:s9] =	ssyncset.done @!p0 $0x0  }
0x43: {  	s11 =	sadd.s32 $0x1800, s10;
	s8 =	rddreg [dreg:$0x5];
	[sflag:s9] =	ssyncadd.s32 @!p0 $0xFFFFC000  }
0x44: {  	[tilespmem:s8], [sflag:$0x4] =	stream.linear.gather [hbm4b:s11+s4], $0x4000, $0x38;
	[tilespmem:$0x19508] =	vst v63  }
0x45: {  	_ =	swait.ge [sflag:s25], $0x4000  }
0x46: {  	[sflag:s25] =	ssyncset.done $0x0  }
0x47: {  	s12 =	simm.s32 $0x40;
	s9 =	simm.s32 @!p0 $0xA;
	[sflag:s25] =	ssyncadd.s32 $0xFFFFC000  }
0x48: {  	[spmem:s2] =	stream.indirect.scatter.add.f32 [tilespmem:s22], [sflag:$0x7], $0x100, s12, s20, $0xb8;
	[tilespmem:$0x19508] =	vst v63  }
0x49: {  	_ =	swait.ge @!p0 [sflag:s9], $0x4000  }
0x4a: {  	[sflag:s9] =	ssyncset.done @!p0 $0x0  }
0x4b: {  	s13 =	sadd.s32 $0x2000, s10;
	[sflag:s9] =	ssyncadd.s32 @!p0 $0xFFFFC000  }
0x4c: {  	[tilespmem:s26], [sflag:$0x5] =	stream.linear.gather [hbm4b:s13+s4], $0x4000, $0x38;
	[tilespmem:$0x19508] =	vst v63  }
0x4d: {  	_ =	swait.ge [sflag:s28], $0x4000  }
0x4e: {  	[sflag:s28] =	ssyncset.done $0x0  }
0x4f: {  	s31 =	simm.s32 $0x80;
	[sflag:s28] =	ssyncadd.s32 $0xFFFFC000  }
0x50: {  	[spmem:s2] =	stream.indirect.scatter.add.f32 [tilespmem:s23], [sflag:$0x8], $0x100, s31, s20, $0xb8;
	[tilespmem:$0x19508] =	vst v63  }
0x51: {  	_ =	swait.ge [sflag:s29], $0x4000  }
0x52: {  	p0 =	por $0x0, $0x0;
	[sflag:s29] =	ssyncset.done $0x0  }
0x53: {  	s7 =	simm.s32 @p0 $0x4;
	[sflag:s29] =	ssyncadd.s32 $0xFFFFC000  }
0x54: {  	_ =	swait.ge @p0 [sflag:s7], $0x4000  }
0x55: {  	s9 =	simm.s32 @p0 $0xCC80;
	s10 =	simm.s32 @p0 $0x7;
	[sflag:s7] =	ssyncset.done @p0 $0x0  }
0x56: {  	s11 =	simm.s32 @p0 $0xC00;
	[sflag:s7] =	ssyncadd.s32 @p0 $0xFFFFC000;
	s7 =	simm.s32 @p0 $0x40  }
0x57: {  	[spmem:s2] =	stream.indirect.scatter.add.f32 @p0 [tilespmem:s9], [sflag:$0x9], $0x100, s11, s7, $0xb8;
	[tilespmem:$0x19508] =	vst v63  }
0x58: {  	s12 =	simm.s32 @!p0 $0xC80;
	_ =	swait.ge @p0 [sflag:s10], $0x4000  }
0x59: {  	s7 =	sadd.s32 @!p0 $0x0, s14;
	s11 =	simm.s32 @!p0 $0x4;
	[sflag:s10] =	ssyncset.done @p0 $0x0  }
0x5a: {  	s9 =	sadd.s32 @!p0 $0x2800, s7;
	[sflag:s10] =	ssyncadd.s32 @p0 $0xFFFFC000;
	s10 =	simm.s32 @!p0 $0x0  }
0x5b: {  	[tilespmem:s12], [sflag:$0x1] =	stream.linear.gather @!p0 [hbm4b:s9+s10], $0x4000, $0x38;
	[tilespmem:$0x19508] =	vst v63  }
0x5c: {  	_ =	swait.ge @!p0 [sflag:s11], $0x4000  }
0x5d: {  	s13 =	simm.s32 @!p0 $0x40;
	s9 =	simm.s32 @!p0 $0xCC80;
	[sflag:s11] =	ssyncset.done @!p0 $0x0  }
0x5e: {  	s12 =	simm.s32 @!p0 $0x7;
	[sflag:s11] =	ssyncadd.s32 @!p0 $0xFFFFC000;
	s11 =	simm.s32 @!p0 $0xC0  }
0x5f: {  	[spmem:s2] =	stream.indirect.scatter.add.f32 @!p0 [tilespmem:s9], [sflag:$0x9], $0x100, s11, s13, $0xb8;
	[tilespmem:$0x19508] =	vst v63  }
0x60: {  	_ =	swait.ge @!p0 [sflag:s12], $0x4000  }
0x61: {  	p1 =	por $0x0, $0x0;
	[sflag:s12] =	ssyncset.done @!p0 $0x0  }
0x62: {  	s7 =	sadd.s32 @!p0 $0x3000, s7;
	s11 =	simm.s32 @!p0 $0x4C80;
	[sflag:s12] =	ssyncadd.s32 @!p0 $0xFFFFC000  }
0x63: {  	[tilespmem:s11], [sflag:$0x2] =	stream.linear.gather @!p0 [hbm4b:s7+s10], $0x4000, $0x38;
	[tilespmem:$0x19508] =	vst v63  }
0x64: {  	s9 =	simm.s32 $0x2800;
	s13 =	simm.s32 $0x100;
	_ =	swait.ge [sflag:s30], $0x4000  }
0x65: {  	s10 =	simm.s32 $0x5000;
	s7 =	simm.s32 $0x140;
	[sflag:s30] =	ssyncset.done $0x0  }
.LBB2_4:
0x66: {  	s8 =	simm.s32 @!p1 $0x8;
	[sflag:s30] =	ssyncadd.s32 $0xFFFFC000  }
0x67: {  	[spmem:s2] =	stream.indirect.scatter.add.f32 [tilespmem:s26], [sflag:$0xA], $0x100, s13, s20, $0xb8;
	[tilespmem:$0x19508] =	vst v63  }
0x68: {  	_ =	swait.ge @!p1 [sflag:s8], $0x4000  }
0x69: {  	s13 =	sadd.s32 s9, s14;
	[sflag:s8] =	ssyncset.done @!p1 $0x0  }
0x6a: {  	s31 =	sadd.s32 $0x1000, s13;
	[sflag:s8] =	ssyncadd.s32 @!p1 $0xFFFFC000  }
0x6b: {  	[tilespmem:s23], [sflag:$0x3] =	stream.linear.gather [hbm4b:s31+s4], $0x4000, $0x38;
	[tilespmem:$0x19508] =	vst v63  }
0x6c: {  	_ =	swait.ge [sflag:s24], $0x4000  }
0x6d: {  	[sflag:s24] =	ssyncset.done $0x0  }
0x6e: {  	s8 =	simm.s32 @!p1 $0x9;
	[sflag:s24] =	ssyncadd.s32 $0xFFFFC000  }
0x6f: {  	[spmem:s2] =	stream.indirect.scatter.add.f32 [tilespmem:s21], [sflag:$0x6], $0x100, s7, s20, $0xb8;
	[tilespmem:$0x19508] =	vst v63  }
0x70: {  	_ =	swait.ge @!p1 [sflag:s8], $0x4000  }
0x71: {  	[sflag:s8] =	ssyncset.done @!p1 $0x0  }
0x72: {  	s0 =	sadd.s32 $0x1800, s13;
	s31 =	rddreg [dreg:$0x5];
	[sflag:s8] =	ssyncadd.s32 @!p1 $0xFFFFC000  }
0x73: {  	[tilespmem:s31], [sflag:$0x4] =	stream.linear.gather [hbm4b:s0+s4], $0x4000, $0x38;
	[tilespmem:$0x19508] =	vst v63  }
0x74: {  	_ =	swait.ge [sflag:s25], $0x4000  }
0x75: {  	[sflag:s25] =	ssyncset.done $0x0  }
0x76: {  	s1 =	sadd.s32 $0x40, s7;
	s31 =	simm.s32 @!p1 $0xA;
	[sflag:s25] =	ssyncadd.s32 $0xFFFFC000  }
0x77: {  	[spmem:s2] =	stream.indirect.scatter.add.f32 [tilespmem:s22], [sflag:$0x7], $0x100, s1, s20, $0xb8;
	[tilespmem:$0x19508] =	vst v63  }
0x78: {  	_ =	swait.ge @!p1 [sflag:s31], $0x4000  }
0x79: {  	[sflag:s31] =	ssyncset.done @!p1 $0x0  }
0x7a: {  	s13 =	sadd.s32 $0x2000, s13;
	[sflag:s31] =	ssyncadd.s32 @!p1 $0xFFFFC000  }
0x7b: {  	[tilespmem:s26], [sflag:$0x5] =	stream.linear.gather [hbm4b:s13+s4], $0x4000, $0x38;
	[tilespmem:$0x19508] =	vst v63  }
0x7c: {  	_ =	swait.ge [sflag:s28], $0x4000  }
0x7d: {  	[sflag:s28] =	ssyncset.done $0x0  }
0x7e: {  	s31 =	sadd.s32 $0x80, s7;
	[sflag:s28] =	ssyncadd.s32 $0xFFFFC000  }
0x7f: {  	[spmem:s2] =	stream.indirect.scatter.add.f32 [tilespmem:s23], [sflag:$0x8], $0x100, s31, s20, $0xb8;
	[tilespmem:$0x19508] =	vst v63  }
0x80: {  	_ =	swait.ge [sflag:s29], $0x4000  }
0x81: {  	p1 =	seq.s32 s9, $0x16800;
	[sflag:s29] =	ssyncset.done $0x0  }
0x82: {  	s8 =	simm.s32 @p1 $0x4;
	s9 =	sadd.s32 @!p1 s9, s14;
	[sflag:s29] =	ssyncadd.s32 $0xFFFFC000  }
0x83: {  	s1 =	simm.s32 @p1 $0x7;
	s0 =	simm.s32 @p1 $0xC00;
	_ =	swait.ge @p1 [sflag:s8], $0x4000  }
0x84: {  	s13 =	sadd.s32 @!p1 $0x2800, s9;
	s31 =	sadd.s32 @!p1 $0x3000, s9;
	[sflag:s8] =	ssyncset.done @p1 $0x0  }
0x85: {  	s9 =	simm.s32 @p1 $0xCC80;
	[sflag:s8] =	ssyncadd.s32 @p1 $0xFFFFC000;
	s8 =	simm.s32 @p1 $0x40  }
0x86: {  	[spmem:s2] =	stream.indirect.scatter.add.f32 @p1 [tilespmem:s9], [sflag:$0x9], $0x100, s0, s8, $0xb8;
	[tilespmem:$0x19508] =	vst v63  }
0x87: {  	_ =	swait.ge @p1 [sflag:s1], $0x4000  }
0x88: {  	s12 =	smov.u32 s10;
	s0 =	simm.s32 @!p1 $0x4;
	[sflag:s1] =	ssyncset.done @p1 $0x0  }
0x89: {  	s8 =	simm.s32 @!p1 $0xC80;
	[sflag:s1] =	ssyncadd.s32 @p1 $0xFFFFC000;
	s1 =	simm.s32 @!p1 $0x0  }
0x8a: {  	[tilespmem:s8], [sflag:$0x1] =	stream.linear.gather @!p1 [hbm4b:s13+s1], $0x4000, $0x38;
	[tilespmem:$0x19508] =	vst v63  }
0x8b: {  	s10 =	sadd.s32 $0x2800, s10;
	s9 =	smov.u32 s12;
	_ =	swait.ge @!p1 [sflag:s0], $0x4000  }
0x8c: {  	s12 =	simm.s32 @!p1 $0x7;
	s8 =	simm.s32 @!p1 $0xCC80;
	[sflag:s0] =	ssyncset.done @!p1 $0x0  }
0x8d: {  	s13 =	simm.s32 @!p1 $0x40;
	[sflag:s0] =	ssyncadd.s32 @!p1 $0xFFFFC000;
	s0 =	sadd.s32 @!p1 $0xC0, s7  }
0x8e: {  	[spmem:s2] =	stream.indirect.scatter.add.f32 @!p1 [tilespmem:s8], [sflag:$0x9], $0x100, s0, s13, $0xb8;
	[tilespmem:$0x19508] =	vst v63  }
0x8f: {  	p0 =	sne.s32 s10, $0x19000;
	_ =	swait.ge @!p1 [sflag:s12], $0x4000  }
.Ltmp1:
0x90: {  	[sflag:s12] =	ssyncset.done @!p1 $0x0;
	(pc) =	sbr.rel @p0 .LBB2_4-.Ltmp1, $4  }
0x91: {  	s0 =	simm.s32 @!p1 $0x4C80;
	[sflag:s12] =	ssyncadd.s32 @!p1 $0xFFFFC000  }
0x92: {  	[tilespmem:s0], [sflag:$0x2] =	stream.linear.gather @!p1 [hbm4b:s31+s1], $0x4000, $0x38;
	[tilespmem:$0x19508] =	vst v63  }
0x93: {  	s11 =	smov.u32 s7;
	s7 =	sadd.s32 $0x140, s7;
	_ =	swait.ge [sflag:s30], $0x4000  }
0x94: {  	s13 =	sadd.s32 $0x100, s11;
	p1 =	seq.s32 s9, $0x0;
	[sflag:s30] =	ssyncset.done $0x0  }
0x95: {  	s0 =	simm.s32 @!p1 $0x8;
	[sflag:s30] =	ssyncadd.s32 $0xFFFFC000  }
0x96: {  	[spmem:s2] =	stream.indirect.scatter.add.f32 [tilespmem:s26], [sflag:$0xA], $0x100, s13, s20, $0xb8;
	[tilespmem:$0x19508] =	vst v63  }
0x97: {  	_ =	swait.ge @!p1 [sflag:s0], $0x4000  }
0x98: {  	s1 =	sadd.s32 s9, s14;
	[sflag:s0] =	ssyncset.done @!p1 $0x0  }
0x99: {  	s12 =	sadd.s32 $0x1000, s1;
	[sflag:s0] =	ssyncadd.s32 @!p1 $0xFFFFC000  }
0x9a: {  	[tilespmem:s23], [sflag:$0x3] =	stream.linear.gather [hbm4b:s12+s4], $0x4000, $0x38;
	[tilespmem:$0x19508] =	vst v63  }
0x9b: {  	_ =	swait.ge [sflag:s24], $0x4000  }
0x9c: {  	[sflag:s24] =	ssyncset.done $0x0  }
0x9d: {  	s0 =	simm.s32 @!p1 $0x9;
	[sflag:s24] =	ssyncadd.s32 $0xFFFFC000  }
0x9e: {  	[spmem:s2] =	stream.indirect.scatter.add.f32 [tilespmem:s21], [sflag:$0x6], $0x100, s7, s20, $0xb8;
	[tilespmem:$0x19508] =	vst v63  }
0x9f: {  	_ =	swait.ge @!p1 [sflag:s0], $0x4000  }
0xa0: {  	[sflag:s0] =	ssyncset.done @!p1 $0x0  }
0xa1: {  	s13 =	sadd.s32 $0x1800, s1;
	s8 =	rddreg [dreg:$0x5];
	[sflag:s0] =	ssyncadd.s32 @!p1 $0xFFFFC000  }
0xa2: {  	[tilespmem:s8], [sflag:$0x4] =	stream.linear.gather [hbm4b:s13+s4], $0x4000, $0x38;
	[tilespmem:$0x19508] =	vst v63  }
0xa3: {  	_ =	swait.ge [sflag:s25], $0x4000  }
0xa4: {  	[sflag:s25] =	ssyncset.done $0x0  }
0xa5: {  	s31 =	sadd.s32 $0x40, s7;
	s8 =	simm.s32 @!p1 $0xA;
	[sflag:s25] =	ssyncadd.s32 $0xFFFFC000  }
0xa6: {  	[spmem:s2] =	stream.indirect.scatter.add.f32 [tilespmem:s22], [sflag:$0x7], $0x100, s31, s20, $0xb8;
	[tilespmem:$0x19508] =	vst v63  }
0xa7: {  	_ =	swait.ge @!p1 [sflag:s8], $0x4000  }
0xa8: {  	[sflag:s8] =	ssyncset.done @!p1 $0x0  }
0xa9: {  	[sflag:s8] =	ssyncadd.s32 @!p1 $0xFFFFC000;
	s8 =	sadd.s32 $0x2000, s1  }
0xaa: {  	[tilespmem:s26], [sflag:$0x5] =	stream.linear.gather [hbm4b:s8+s4], $0x4000, $0x38;
	[tilespmem:$0x19508] =	vst v63  }
0xab: {  	_ =	swait.ge [sflag:s28], $0x4000  }
0xac: {  	[sflag:s28] =	ssyncset.done $0x0  }
0xad: {  	s10 =	sadd.s32 $0x80, s7;
	[sflag:s28] =	ssyncadd.s32 $0xFFFFC000  }
0xae: {  	[spmem:s2] =	stream.indirect.scatter.add.f32 [tilespmem:s23], [sflag:$0x8], $0x100, s10, s20, $0xb8;
	[tilespmem:$0x19508] =	vst v63  }
0xaf: {  	_ =	swait.ge [sflag:s29], $0x4000  }
0xb0: {  	p0 =	seq.s32 s9, $0x16800;
	[sflag:s29] =	ssyncset.done $0x0  }
0xb1: {  	s0 =	simm.s32 @p0 $0x4;
	[sflag:s29] =	ssyncadd.s32 $0xFFFFC000  }
0xb2: {  	_ =	swait.ge @p0 [sflag:s0], $0x4000  }
0xb3: {  	s1 =	simm.s32 @p0 $0xCC80;
	s8 =	simm.s32 @p0 $0x7;
	[sflag:s0] =	ssyncset.done @p0 $0x0  }
0xb4: {  	s10 =	simm.s32 @p0 $0xC00;
	[sflag:s0] =	ssyncadd.s32 @p0 $0xFFFFC000;
	s0 =	simm.s32 @p0 $0x40  }
0xb5: {  	[spmem:s2] =	stream.indirect.scatter.add.f32 @p0 [tilespmem:s1], [sflag:$0x9], $0x100, s10, s0, $0xb8;
	[tilespmem:$0x19508] =	vst v63  }
0xb6: {  	s0 =	sadd.s32 @!p0 s9, s14;
	_ =	swait.ge @p0 [sflag:s8], $0x4000  }
0xb7: {  	s9 =	simm.s32 @!p0 $0x4;
	s10 =	simm.s32 @!p0 $0xC80;
	[sflag:s8] =	ssyncset.done @p0 $0x0  }
0xb8: {  	s1 =	sadd.s32 @!p0 $0x2800, s0;
	[sflag:s8] =	ssyncadd.s32 @p0 $0xFFFFC000;
	s8 =	simm.s32 @!p0 $0x0  }
0xb9: {  	[tilespmem:s10], [sflag:$0x1] =	stream.linear.gather @!p0 [hbm4b:s1+s8], $0x4000, $0x38;
	[tilespmem:$0x19508] =	vst v63  }
0xba: {  	_ =	swait.ge @!p0 [sflag:s9], $0x4000  }
0xbb: {  	s11 =	simm.s32 @!p0 $0x40;
	s1 =	simm.s32 @!p0 $0xCC80;
	[sflag:s9] =	ssyncset.done @!p0 $0x0  }
0xbc: {  	s10 =	simm.s32 @!p0 $0x7;
	[sflag:s9] =	ssyncadd.s32 @!p0 $0xFFFFC000;
	s9 =	sadd.s32 @!p0 $0xC0, s7  }
0xbd: {  	[spmem:s2] =	stream.indirect.scatter.add.f32 @!p0 [tilespmem:s1], [sflag:$0x9], $0x100, s9, s11, $0xb8;
	[tilespmem:$0x19508] =	vst v63  }
0xbe: {  	_ =	swait.ge @!p0 [sflag:s10], $0x4000  }
0xbf: {  	[sflag:s10] =	ssyncset.done @!p0 $0x0  }
0xc0: {  	s0 =	sadd.s32 @!p0 $0x3000, s0;
	s1 =	simm.s32 @!p0 $0x4C80;
	[sflag:s10] =	ssyncadd.s32 @!p0 $0xFFFFC000  }
0xc1: {  	[tilespmem:s1], [sflag:$0x2] =	stream.linear.gather @!p0 [hbm4b:s0+s8], $0x4000, $0x38;
	[tilespmem:$0x19508] =	vst v63  }
0xc2: {  	_ =	swait.ge [sflag:s30], $0x4000  }
0xc3: {  	[sflag:s30] =	ssyncset.done $0x0  }
0xc4: {  	s12 =	simm.s32 $0x8;
	s11 =	sadd.s32 $0x100, s7;
	[sflag:s30] =	ssyncadd.s32 $0xFFFFC000  }
0xc5: {  	[spmem:s2] =	stream.indirect.scatter.add.f32 [tilespmem:s26], [sflag:$0xA], $0x100, s11, s20, $0xb8;
	[tilespmem:$0x19508] =	vst v63  }
0xc6: {  	_ =	swait.ge [sflag:s12], $0x4000  }
0xc7: {  	[sflag:s12] =	ssyncset.done $0x0  }
0xc8: {  	s13 =	simm.s32 $0x9;
	[sflag:s12] =	ssyncadd.s32 $0xFFFFC000  }
0xc9: {  	_ =	swait.ge [sflag:s13], $0x4000  }
0xca: {  	[sflag:s13] =	ssyncset.done $0x0  }
0xcb: {  	s31 =	simm.s32 $0xA;
	[sflag:s13] =	ssyncadd.s32 $0xFFFFC000  }
0xcc: {  	_ =	swait.ge [sflag:s31], $0x4000  }
0xcd: {  	[sflag:s31] =	ssyncset.done $0x0  }
0xce: {  	[sflag:s31] =	ssyncadd.s32 $0xFFFFC000  }
0xcf: {  	_ =	swait.ge [sflag:s5], $0x400  }
0xd0: {  	s7 =	simm.s32 $0x31;
	[sflag:s5] =	ssyncset.done $0x0  }
.LBB2_6:
0xd1: {  	p0 =	sne.s32 s7, $0x1;
	s7 =	sadd.s32 $0xFFFFFFFF, s7;
	[sflag:s5] =	ssyncadd.s32 $0xFFFFFC00  }
.Ltmp2:
0xd2: {  	(pc) =	sbr.rel @p0 .LBB2_6-.Ltmp2, $3  }
0xd3: {  	_ =	sdelay $0x1  }
0xd4: {  	_ =	swait.ge [sflag:s5], $0x400  }
0xd5: {  	[sflag:s5] =	ssyncset.done $0x0  }
0xd6: {  	[sflag:s5] =	ssyncadd.s32 $0xFFFFFC00  }
0xd7: {  	[bflag:$0x0] =	sbarrier.arrive $0xFFFF  }
0xd8: {  	s0 =	rddreg [dreg:$0xc]  }
0xd9: {  	[hbm:s0], [sflag:s17] =	dma.local [spmem:s18], $0x800  }
0xda: {  	_ =	swait.ge [sflag:s15], $0x800  }
0xdb: {  	[sflag:s15] =	ssyncset.done $0x0  }
0xdc: {  	s13 =	rddreg [dreg:$0xd];
	[sflag:s15] =	ssyncadd.s32 $0xFFFFF800  }
0xdd: {  	[hbm:s13], [sflag:s17] =	dma.local [spmem:s19], $0x80  }
0xde: {  	_ =	swait.ge [sflag:s15], $0x80  }
0xdf: {  	s6 =	sadd.s32 $0x1, s6;
	s31 =	rddreg [dreg:$0xe]  }
0xe0: {  	p0 =	sne.s32 s6, s31  }
.Ltmp3:
0xe1: {  	_ = 	snop;
	(pc) =	sbr.rel @p0 .LBB2_1-.Ltmp3, $3  }
0xe2: {  	_ =	sdelay $0x1  }
0xe3: {  	[sflag:s15] =	ssyncset.done $0x0  }
0xe4: {  	[sflag:s15] =	ssyncadd.s32 $0xFFFFFF80  }
0xe5: {  	_ =	sfence.sel $0x180000  }
0xe6: {  	[bflag:$0x0] =	sbarrier.arrive $0xFFFF  }
0xe7: {  	_ =	strace $0x9000004A  }
0xe8: {  	s0 =	stileid.u32;
	[bflag:$0x2] =	sbarrier.arrive $0xFFFF  }
0xe9: {  	p0 =	sne.s32 s0, $0x0;
	s0 =	rddreg [dreg:$0x4]  }
0xea: {  	s0 =	sadd.s32 @!p0 $0x100000, s0  }
0xeb: {  	[sflag:s0] =	ssyncadd.tile.s32 @!p0 $0x1;
	_ =	shalt  }
.Lfunc_end2:
_tile_overlayer_lowered:
.L_overlay_start_2:
0xec: {  	(tag) =	ssettag $0x2  }
0xed: {  	s0 =	rddreg [dreg:$0x0];
	s2 =	stileid.u32  }
0xee: {  	s1 =	rddreg [dreg:$0x1];
	p0 =	sne.s32 s2, $0x0  }
0xef: {  	s3 =	rddreg [dreg:$0x2];
	[bflag:$0x3] =	sbarrier.arrive $0xFFFF;
	s2 =	simm.s32 @!p0 $0x1C0C  }
0xf0: {  	[timem:s3], [sflag:s2] =	dma.local @!p0 [hbm:s0], s1  }
0xf1: {  	s0 =	simm.s32 @!p0 $0xC  }
0xf2: {  	_ =	swait.ge @!p0 [sflag:s0], s1  }
0xf3: {  	s1 =	ssub.s32 @!p0 $0x0, s1;
	[sflag:s0] =	ssyncset.done @!p0 $0x0  }
0xf4: {  	[sflag:s0] =	ssyncadd.s32 @!p0 s1  }
0xf5: {  	[bflag:$0x3] =	sbarrier.arrive $0xFFFF  }
0xf6: {  	_ =	shalt  }

// kernel: sparse-core-data-format-call.cloned.1.call-start
scs
called_computation_lowered:
.L_overlay_start_0:
0x0: {  	s2 =	sld [smem:$0x3FD9]  }
0x1: {  	s3 =	sld [smem:$0x3FFE];
	_ =	sdelay $0x1  }
0x2: {  	s1 =	srdreg.scid  }
0x3: {  	s0 =	sand.u32 $0x1, s1  }
0x4: {  	s18 =	sshll.u32 s0, $0xA;
	s2 =	sadd.s32 s3, s2  }
0x5: {  	s2 =	sadd.s32 s2, s18  }
0x6: {  	[smem:$0x3FC2] =	sst s2  }
0x7: {  	_ = 	snop  }
0x8: {  	s2 =	sld [smem:$0x3FC9];
	(tm) =	ssettm $0x1  }
0x9: {  	s19 =	sld [smem:$0x3FFB];
	_ =	sdelay $0x3  }
0xa: {  	_ =	strace s19  }
0xb: {  	s3 =	sld [smem:$0x3FFC];
	_ =	sdelay $0x3  }
0xc: {  	_ =	strace s3  }
0xd: {  	s3 =	sld [smem:$0x3FFD];
	_ =	sdelay $0x3  }
0xe: {  	_ =	strace s3  }
0xf: {  	_ =	strace $0x8FFFFFFF  }
0x10: {  	s20 =	sld [smem:$0x3FDB];
	_ =	sdelay $0x1  }
0x11: {  	s4 =	simm.s32 $_scs_section_size  }
0x12: {  	s5 =	simm.s32 $_size__tile_overlayer_lowered;
	s6 =	simm.s32 $_tile_overlayer_lowered  }
0x13: {  	s23 =	simm.s32 $0x1BFF;
	s22 =	sshll.u32 s6, $0x1;
	s3 =	sadd.s32 s4, s20  }
0x14: {  	s7 =	simm.s32 $0x0;
	s21 =	sshll.u32 s5, $0x1;
	s5 =	sadd.s32 s22, s3  }
0x15: {  	[timem:s7], [sflag:s23] =	dma.local [hbm:s5], s21  }
0x16: {  	_ =	swait.ge [sflag:s23], s21  }
0x17: {  	s4 =	ssub.s32 $0x0, s21;
	[sflag:s23] =	ssyncset.done $0x0  }
0x18: {  	[sflag:s23] =	ssyncadd.s32 s4;
	_ =	sdelay $0x1  }
0x19: {  	s24 =	simm.s32 $0x1B8B  }
0x1a: {  	_ =	swait.ge [sflag:s24], $0x1  }
0x1b: {  	[sflag:s24] =	ssyncset.done $0x0  }
0x1c: {  	s26 =	simm.s32 $0x1B8E;
	s25 =	sld [smem:$0x3FFE];
	[sflag:s24] =	ssyncadd.s32 $0xFFFFFFFF  }
0x1d: {  	s27 =	simm.s32 $execute0_lowered;
	[smem:$0x3FD2] =	sst s26  }
0x1e: {  	s5 =	sshll.u32 s27, $0x1;
	_ =	strace $0x80000046;
	[dreg:$0x1] =	wrdreg $0xFFFFFFFF  }
0x1f: {  	s28 =	simm.s32 $_size_execute0_lowered;
	s3 =	sadd.s32 s3, s5;
	[dreg:$0x0] =	wrdreg $0x0  }
0x20: {  	s5 =	sshll.u32 s28, $0x1;
	[dreg:$0x2] =	wrdreg s3  }
0x21: {  	[dreg:$0x3] =	wrdreg s5  }
0x22: {  	[dreg:$0x4] =	wrdreg $0xC0  }
0x23: {  	_ =	task [dreg:s7], $0x5FFFF  }
0x24: {  	[dreg:$0x1] =	wrdreg $0xFFFFFFFF  }
0x25: {  	[dreg:$0x0] =	wrdreg $0x60  }
0x26: {  	[dreg:$0x2] =	wrdreg s2  }
0x27: {  	[dreg:$0x3] =	wrdreg s25  }
0x28: {  	[dreg:$0x4] =	wrdreg $0x9  }
0x29: {  	_ =	task.clear_ibuf [dreg:s7], $0x5FFFF;
	_ =	strace $0x90000046  }
0x2a: {  	s29 =	simm.s32 $0x9;
	_ =	strace $0x80000048  }
0x2b: {  	_ =	swait.ge [sflag:s29], $0x1  }
0x2c: {  	[sflag:s29] =	ssyncadd.s32 $0xFFFFFFFF  }
0x2d: {  	_ =	strace $0x90000048  }
0x2e: {  	_ =	sfence  }
0x2f: {  	s30 =	sld [smem:$0x0];
	_ =	sdelay $0x2  }
0x30: {  	s31 =	sshll.u32 s1, $0xD;
	s1 =	sshrl.u32 s1, $0x2  }
0x31: {  	s3 =	sand.u32 $0x4000, s31;
	s1 =	sadd.s32 s1, s30  }
0x32: {  	s0 =	sor.u32 s3, s0;
	s1 =	sshll.u32 s1, $0x11  }
0x33: {  	s0 =	sor.u32 s1, s0  }
0x34: {  	s0 =	sadd.s32 $0x8F2B, s0  }
0x35: {  	[sflag:s0] =	ssyncadd.remote.s32 $0x1  }
0x36: {  	_ =	sfence.sel $0xFFFF  }
0x37: {  	[dreg:$0x0] =	wrdreg $0xFFFFFFFF;
	(pc) =	sbr.abs _section_cstart, $3  }
0x38: {  	[dreg:$0x1] =	wrdreg $0xFFFFFFFF  }
0x39: {  	_ =	task.clear_ibuf [dreg:s7], $0x2FFFF;
	_ =	strace $0x9FFFFFFF  }
0x3a: {  	(tm) =	ssettm $0x7FFFFFFF  }
0x3b: {  	_ =	shalt  }
tec
execute0_lowered:
.L_overlay_start_1:
0x0: {  	(tag) =	ssettag $0x1  }
0x1: {  	s0 =	srdreg.scid;
	s2 =	rddreg [dreg:$0x0]  }
0x2: {  	s5 =	rddreg [dreg:$0x1];
	s1 =	stileid.u32  }
0x3: {  	s4 =	simm.s32 $0x1;
	s6 =	simm.s32 $0x2;
	s0 =	sshll.u32 s0, $0x4  }
0x4: {  	s8 =	simm.s32 $0x0;
	s9 =	simm.s32 $0x0;
	s3 =	sand.u32 $0x10, s0  }
.Ltmp0:
0x5: {  	s13 =	simm.s32 $0x0;
	s3 =	sor.u32 s1, s3;
	(pc) =	sbr.rel .LBB1_1-.Ltmp0, $4  }
0x6: {  	s0 =	rddreg [dreg:$0x2];
	_ =	strace $0x80000047;
	s3 =	sshll.u32 s3, $0x3  }
0x7: {  	s10 =	simm.s32 $0x0;
	[sflag:s4] =	ssyncpa.u1 $0x0;
	s7 =	ssub.s32 $0x30D0, s3  }
0x8: {  	s12 =	simm.s32 $0x0;
	[sflag:s6] =	ssyncpa.u1 $0x0;
	s6 =	sshrl.u32 s7, $0x8  }
0x9: {  	s5 =	sadd.s32 $0x1C00, s5;
	s11 =	smov.u32 s3;
	s7 =	sadd.s32 $0x2, s6  }
.LBB1_9:
0xa: {  	s15 =	sshll.u32 s12, $0xE  }
0xb: {  	s16 =	sshll.u32 s10, $0x8;
	s15 =	sand.u32 $0x4000, s15  }
0xc: {  	s16 =	sadd.s32 s5, s16;
	s15 =	sor.u32 $0x8000, s15  }
0xd: {  	[hbm4b:s16+s8] =	stream.linear.scatter [tilespmem:s15], [sflag:$0x2], s14, $0x38;
	[tilespmem:$0x10000] =	vst v63  }
.LBB1_10:
0xe: {  	p0 =	slt.u32 s12, $0x2  }
0xf: {  	p1 =	sgt.s32 @!p0 s13, $0x30CC  }
0x10: {  	s14 =	smov.u32 s13;
	s15 =	sshra.s32 @!p0 s13, $0x1F;
	p1 =	por !p1, p0  }
0x11: {  	s13 =	sand.u32 @!p0 s15, s13;
	s14 =	simm.s32 @p1 $0x30CC  }
0x12: {  	s13 =	ssub.s32 @!p0 s14, s13  }
0x13: {  	s13 =	sadd.s32 @!p0 $0xFFFFCF34, s13  }
0x14: {  	s14 =	sshll.u32 @!p0 s13, $0xD  }
0x15: {  	p1 =	sgt.s32 @!p0 s13, $0x7;
	s13 =	ssub.s32 @!p0 $0x10000, s14  }
0x16: {  	s15 =	sadd.s32 $0x100, s11;
	p1 =	por !p1, p0;
	s13 =	sshrl.u32 @!p0 s13, $0x2  }
0x17: {  	s13 =	simm.s32 @!p1 $0x0;
	p1 =	sgt.s32 s15, $0x30D3  }
0x18: {  	s15 =	smov.u32 @p1 s3;
	p1 =	sne.s32 s12, s7  }
.Ltmp1:
0x19: {  	_ = 	snop;
	(pc) =	sbr.rel @!p1 .LBB1_11-.Ltmp1, $4  }
0x1a: {  	s14 =	simm.s32 @!p0 $0x2  }
0x1b: {  	s9 =	sadd.s32 $0x4000, s9;
	_ =	swait.ge @!p0 [sflag:s14], s13;
	s16 =	ssub.s32 @!p0 $0x0, s13  }
0x1c: {  	s13 =	smov.u32 s10;
	s12 =	sadd.s32 $0x1, s12;
	[sflag:s14] =	ssyncset.done @!p0 $0x0  }
0x1d: {  	s10 =	smov.u32 s11;
	s11 =	smov.u32 s15;
	[sflag:s14] =	ssyncadd.s32 @!p0 s16  }
.LBB1_1:
0x1e: {  	p0 =	sgt.u32 s12, s6  }
0x1f: {  	p1 =	sgt.s32 @!p0 s11, $0x30CC  }
0x20: {  	s14 =	smov.u32 s11;
	s15 =	sshra.s32 @!p0 s11, $0x1F;
	p1 =	por !p1, p0  }
0x21: {  	s15 =	sand.u32 @!p0 s15, s11;
	s14 =	simm.s32 @p1 $0x30CC  }
0x22: {  	s14 =	ssub.s32 @!p0 s14, s15  }
0x23: {  	s14 =	sadd.s32 @!p0 $0xFFFFCF34, s14  }
0x24: {  	s17 =	simm.s32 @!p0 $0x0;
	s15 =	sxor.u32 @!p0 $0xFFFFFFFF, s12;
	s16 =	sshll.u32 @!p0 s14, $0xD  }
0x25: {  	s15 =	sshll.u32 @!p0 s15, $0xE;
	p1 =	sgt.s32 @!p0 s14, $0x7;
	s14 =	ssub.s32 @!p0 $0x10000, s16  }
0x26: {  	p1 =	por !p1, p0;
	s16 =	sshll.u32 @!p0 s11, $0x8;
	s14 =	sshrl.u32 @!p0 s14, $0x2  }
0x27: {  	s15 =	sand.u32 @!p0 $0x4000, s15;
	s16 =	sadd.s32 @!p0 s2, s16;
	s14 =	simm.s32 @!p1 $0x0  }
0x28: {  	[tilespmem:s15], [sflag:$0x1] =	stream.linear.gather @!p0 [hbm4b:s16+s17], s14, $0x38;
	[tilespmem:$0x10000] =	vst v63  }
0x29: {  	p0 =	seq.s32 s12, $0x0  }
0x2a: {  	p1 =	sge.u32 @!p0 s12, s7  }
0x2b: {  	p0 =	por p0, p1  }
.Ltmp2:
0x2c: {  	_ = 	snop;
	(pc) =	sbr.rel @p0 .LBB1_10-.Ltmp2, $1  }
0x2d: {  	_ =	sdelay $0x3  }
0x2e: {  	p0 =	sgt.s32 s10, $0x30CC;
	s14 =	smov.u32 s10;
	s15 =	sshra.s32 s10, $0x1F  }
0x2f: {  	s14 =	simm.s32 @!p0 $0x30CC;
	s15 =	sand.u32 s15, s10  }
0x30: {  	s14 =	ssub.s32 s14, s15  }
0x31: {  	s16 =	sadd.s32 $0x8, s10;
	s14 =	sadd.s32 $0xFFFFCF34, s14  }
0x32: {  	p1 =	slt.s32 s16, $0x30D4;
	s30 =	sshll.u32 s14, $0xD  }
0x33: {  	s16 =	simm.s32 @!p1 $0x30D4;
	s15 =	ssub.s32 $0x10000, s30  }
0x34: {  	p0 =	sgt.s32 s14, $0x7;
	s14 =	sshrl.u32 s15, $0x2;
	s15 =	ssub.s32 s16, s10  }
0x35: {  	s14 =	simm.s32 @p0 $0x0;
	p0 =	slt.s32 s15, $0x1  }
.Ltmp3:
0x36: {  	_ = 	snop;
	(pc) =	sbr.rel @p0 .LBB1_9-.Ltmp3, $4  }
0x37: {  	_ = 	snop  }
0x38: {  	_ =	swait.ge [sflag:s4], s14  }
0x39: {  	s31 =	ssub.s32 $0x0, s14;
	[sflag:s4] =	ssyncset.done $0x0  }
0x3a: {  	[sflag:s4] =	ssyncadd.s32 s31  }
0x3b: {  	s16 =	sshll.u32 s9, $0x2  }
0x3c: {  	s16 =	sand.u32 $0x10000, s16  }
0x3d: {  	s16 =	sshrl.u32 s16, $0x2  }
0x3e: {  	s18 =	simm.s32 $0x0;
	s19 =	simm.s32 $0x0;
	s17 =	sor.u32 $0x8000, s16  }
.LBB1_4:
0x3f: {  	s20 =	sshra.s32 s18, $0x2  }
0x40: {  	v0 =	vmov s20;
	_ =	sdelay $0x3  }
0x41: {  	p1 =	por $0x1, $0x1;
	s20 =	simm.s32 $0x0  }
.LBB1_5:
0x42: {  	_ = 	snop  }
0x43: {  	s21 =	sshll.u32 s20, $0xA  }
0x44: {  	s21 =	sand.u32 $0x3FFFFC00, s21  }
0x45: {  	s21 =	sadd.s32 s21, s16  }
0x46: {  	v5 =	vld.idx.msk [tilespmem:v0+s21+$0x70 ss:$0x1], $0xffff  }
0x47: {  	v6 =	vld.idx.msk [tilespmem:v0+s21+$0x10 ss:$0x1], $0xffff  }
0x48: {  	v7 =	vld.idx.msk [tilespmem:v0+s21+$0x20 ss:$0x1], $0xffff  }
0x49: {  	s31 =	sshll.u32 s20, $0x7;
	v1 =	vld.idx.msk [tilespmem:v0+s21+$0x30 ss:$0x1], $0xffff  }
0x4a: {  	s20 =	sand.u32 $0x3FFFFF80, s31;
	v2 =	vld.idx.msk [tilespmem:v0+s21+$0x40 ss:$0x1], $0xffff  }
0x4b: {  	s20 =	sadd.s32 s20, s17;
	v3 =	vld.idx.msk [tilespmem:v0+s21+$0x50 ss:$0x1], $0xffff  }
0x4c: {  	v4 =	vld.idx.msk [tilespmem:v0+s21+$0x60 ss:$0x1], $0xffff;
	[tilespmem:v0+s20+$0x70 ss:$0x1] =	vst.idx.msk $0xffff, v5  }
0x4d: {  	v5 =	vld.idx.msk [tilespmem:v0+s21+$0x0 ss:$0x1], $0xffff;
	[tilespmem:v0+s20+$0x10 ss:$0x1] =	vst.idx.msk $0xffff, v6;
	s21 =	sadd.s32 $0x80, s21  }
0x4e: {  	p0 =	por p1, p1;
	s22 =	simm.s32 $0x6;
	[tilespmem:v0+s20+$0x20 ss:$0x1] =	vst.idx.msk $0xffff, v7;
	v6 =	vld.idx.msk [tilespmem:v0+s21+$0x70 ss:$0x1], $0xffff  }
.LBB1_6:
0x4f: {  	p1 =	sne.s32 s22, $0x1;
	v7 =	vld.idx.msk [tilespmem:v0+s21+$0x10 ss:$0x1], $0xffff;
	[tilespmem:v0+s20+$0x30 ss:$0x1] =	vst.idx.msk $0xffff, v1  }
0x50: {  	v8 =	vld.idx.msk [tilespmem:v0+s21+$0x20 ss:$0x1], $0xffff;
	[tilespmem:v0+s20+$0x40 ss:$0x1] =	vst.idx.msk $0xffff, v2  }
0x51: {  	v1 =	vld.idx.msk [tilespmem:v0+s21+$0x30 ss:$0x1], $0xffff;
	[tilespmem:v0+s20+$0x50 ss:$0x1] =	vst.idx.msk $0xffff, v3  }
.Ltmp4:
0x52: {  	v2 =	vld.idx.msk [tilespmem:v0+s21+$0x40 ss:$0x1], $0xffff;
	[tilespmem:v0+s20+$0x60 ss:$0x1] =	vst.idx.msk $0xffff, v4;
	(pc) =	sbr.rel @p1 .LBB1_6-.Ltmp4, $4  }
0x53: {  	v3 =	vld.idx.msk [tilespmem:v0+s21+$0x50 ss:$0x1], $0xffff;
	[tilespmem:v0+s20+$0x0 ss:$0x1] =	vst.idx.msk $0xffff, v5;
	s20 =	sadd.s32 $0x100, s20  }
0x54: {  	v4 =	vld.idx.msk [tilespmem:v0+s21+$0x60 ss:$0x1], $0xffff;
	[tilespmem:v0+s20+$0x70 ss:$0x1] =	vst.idx.msk $0xffff, v6  }
0x55: {  	v5 =	vld.idx.msk [tilespmem:v0+s21+$0x0 ss:$0x1], $0xffff;
	[tilespmem:v0+s20+$0x10 ss:$0x1] =	vst.idx.msk $0xffff, v7;
	s21 =	sadd.s32 $0x80, s21  }
0x56: {  	s22 =	sadd.s32 $0xFFFFFFFF, s22;
	v6 =	vld.idx.msk [tilespmem:v0+s21+$0x70 ss:$0x1], $0xffff;
	[tilespmem:v0+s20+$0x20 ss:$0x1] =	vst.idx.msk $0xffff, v8  }
0x57: {  	_ =	sdelay $0x3  }
0x58: {  	[tilespmem:v0+s20+$0x30 ss:$0x1] =	vst.idx.msk $0xffff, v1  }
0x59: {  	v1 =	vld.idx.msk [tilespmem:v0+s21+$0x10 ss:$0x1], $0xffff;
	[tilespmem:v0+s20+$0x40 ss:$0x1] =	vst.idx.msk $0xffff, v2  }
0x5a: {  	v2 =	vld.idx.msk [tilespmem:v0+s21+$0x20 ss:$0x1], $0xffff;
	[tilespmem:v0+s20+$0x50 ss:$0x1] =	vst.idx.msk $0xffff, v3  }
0x5b: {  	v61 =	vld.idx.msk [tilespmem:v0+s21+$0x40 ss:$0x1], $0xffff;
	[tilespmem:v0+s20+$0x60 ss:$0x1] =	vst.idx.msk $0xffff, v4  }
0x5c: {  	s31 =	sadd.s32 $0x100, s20;
	v62 =	vld.idx.msk [tilespmem:v0+s21+$0x50 ss:$0x1], $0xffff;
	[tilespmem:v0+s20+$0x0 ss:$0x1] =	vst.idx.msk $0xffff, v5  }
0x5d: {  	v63 =	vld.idx.msk [tilespmem:v0+s21+$0x60 ss:$0x1], $0xffff;
	[tilespmem:v0+s31+$0x70 ss:$0x1] =	vst.idx.msk $0xffff, v6  }
0x5e: {  	v3 =	vld.idx.msk [tilespmem:v0+s21+$0x30 ss:$0x1], $0xffff;
	[tilespmem:v0+s31+$0x10 ss:$0x1] =	vst.idx.msk $0xffff, v1  }
0x5f: {  	v1 =	vld.idx.msk [tilespmem:v0+s21+$0x0 ss:$0x1], $0xffff;
	[tilespmem:v0+s31+$0x20 ss:$0x1] =	vst.idx.msk $0xffff, v2  }
.Ltmp5:
0x60: {  	[tilespmem:v0+s31+$0x40 ss:$0x1] =	vst.idx.msk $0xffff, v61;
	(pc) =	sbr.rel @p0 .LBB1_5-.Ltmp5, $4  }
0x61: {  	[tilespmem:v0+s31+$0x50 ss:$0x1] =	vst.idx.msk $0xffff, v62  }
0x62: {  	[tilespmem:v0+s31+$0x60 ss:$0x1] =	vst.idx.msk $0xffff, v63  }
0x63: {  	[tilespmem:v0+s31+$0x30 ss:$0x1] =	vst.idx.msk $0xffff, v3  }
0x64: {  	p1 =	por $0x0, $0x0;
	s20 =	simm.s32 $0x1;
	[tilespmem:v0+s31+$0x0 ss:$0x1] =	vst.idx.msk $0xffff, v1  }
0x65: {  	s19 =	sadd.s32 $0x1, s19  }
0x66: {  	p0 =	sne.s32 s19, s15  }
.Ltmp6:
0x67: {  	_ = 	snop;
	(pc) =	sbr.rel @p0 .LBB1_4-.Ltmp6, $4  }
.Ltmp7:
0x68: {  	_ = 	snop;
	(pc) =	sbr.rel @!p0 .LBB1_9-.Ltmp7, $4  }
0x69: {  	_ = 	snop  }
0x6a: {  	_ = 	snop  }
0x6b: {  	s18 =	sadd.s32 $0x2000, s18  }
0x6c: {  	_ = 	snop  }
.LBB1_11:
0x6d: {  	_ =	sfence.sel $0x180000  }
0x6e: {  	s2 =	simm.s32 $0x1;
	[bflag:$0x0] =	sbarrier.arrive $0xFFFF  }
0x6f: {  	s31 =	simm.s32 $0x2;
	[sflag:s2] =	ssyncpa.u1 $0x1  }
0x70: {  	[sflag:s31] =	ssyncpa.u1 $0x1  }
0x71: {  	p0 =	sne.s32 s1, $0x0;
	_ =	strace $0x90000047  }
0x72: {  	s0 =	sadd.s32 @!p0 $0x100000, s0;
	[bflag:$0x2] =	sbarrier.arrive $0xFFFF  }
0x73: {  	[sflag:s0] =	ssyncadd.tile.s32 @!p0 $0x1;
	_ =	shalt  }
.Lfunc_end1:
_tile_overlayer_lowered:
.L_overlay_start_2:
0x74: {  	(tag) =	ssettag $0x2  }
0x75: {  	s0 =	rddreg [dreg:$0x0];
	s2 =	stileid.u32  }
0x76: {  	s1 =	rddreg [dreg:$0x1];
	p0 =	sne.s32 s2, $0x0  }
0x77: {  	s3 =	rddreg [dreg:$0x2];
	[bflag:$0x3] =	sbarrier.arrive $0xFFFF;
	s2 =	simm.s32 @!p0 $0x1C01  }
0x78: {  	[timem:s3], [sflag:s2] =	dma.local @!p0 [hbm:s0], s1  }
0x79: {  	s0 =	simm.s32 @!p0 $0x1  }
0x7a: {  	_ =	swait.ge @!p0 [sflag:s0], s1  }
0x7b: {  	s1 =	ssub.s32 @!p0 $0x0, s1;
	[sflag:s0] =	ssyncset.done @!p0 $0x0  }
0x7c: {  	[sflag:s0] =	ssyncadd.s32 @!p0 s1  }
0x7d: {  	[bflag:$0x3] =	sbarrier.arrive $0xFFFF  }
0x7e: {  	_ =	shalt  }

</sc_bundles>
